<compile_context>
chip_gen: v7x
topology: tpu7x:2x2x1
jax: 0.10.2.dev20260603
libtpu: 0.0.44.dev20260713+nightly
codegen_flags: <defaults>
</compile_context>

<pallas_src>
import functools

import jax
import jax.numpy as jnp
from jax import lax
from jax.experimental import pallas as pl
from jax.experimental.pallas import tpu as pltpu
from jax.experimental.pallas import tpu_sc as plsc

_H = 768
_I = 256
_E = 64
_K = 2
_SCALE = 1.0
_BT = 128
_TMAX = 96
_TM = 256
_HP = _H // 2


def _pack_bf16(a):
    ab = a.astype(jnp.bfloat16)
    lo = lax.convert_element_type(
        lax.bitcast_convert_type(ab[..., :_HP], jnp.int16), jnp.int32)
    hi = lax.convert_element_type(
        lax.bitcast_convert_type(ab[..., _HP:], jnp.int16), jnp.int32)
    return (lo & 0xFFFF) | (hi << 16)


def _unpack_bf16(p):
    lo = lax.bitcast_convert_type(
        lax.convert_element_type(p, jnp.int16), jnp.bfloat16)
    hi = lax.bitcast_convert_type(
        lax.convert_element_type(
            lax.shift_right_logical(p, 16), jnp.int16), jnp.bfloat16)
    return jnp.concatenate([lo, hi], axis=-1)


def _shared_router_body(x_ref, wg_ref, wu_ref, wd_ref, wr_ref,
                        base_ref, w_ref, xp_ref,
                        dest_ref, te_ref, tv_ref, idx_scr):
    i = pl.program_id(0)
    xt = x_ref[...]
    xb = xt.astype(jnp.bfloat16)
    g = jnp.dot(xb, wg_ref[...].astype(jnp.bfloat16),
                preferred_element_type=jnp.float32)
    u = jnp.dot(xb, wu_ref[...].astype(jnp.bfloat16),
                preferred_element_type=jnp.float32)
    h = (jax.nn.sigmoid(g) * u).astype(jnp.bfloat16)
    so = jnp.dot(h, wd_ref[...].astype(jnp.bfloat16),
                 preferred_element_type=jnp.float32)
    base_ref[...] = _pack_bf16(xt + so)
    logits = jnp.dot(xt, wr_ref[...], preferred_element_type=jnp.float32)
    m = jnp.max(logits, axis=-1, keepdims=True)
    e = jnp.exp(logits - m)
    p = e / jnp.sum(e, axis=-1, keepdims=True)
    i1 = jnp.argmax(p, axis=-1).astype(jnp.int32)
    m1 = jnp.max(p, axis=-1)
    lane = lax.broadcasted_iota(jnp.int32, p.shape, 1)
    p2 = jnp.where(lane == i1[:, None], -1.0, p)
    i2 = jnp.argmax(p2, axis=-1).astype(jnp.int32)
    m2 = jnp.max(p2, axis=-1)
    idx_scr[:, pl.ds(i * _TM, _TM)] = jnp.stack([i1, i2], axis=0)
    w_ref[...] = jnp.stack([m1, m2], axis=0)
    xp_ref[...] = _pack_bf16(xb)

    @pl.when(i == pl.num_programs(0) - 1)
    def _():
        _plan_body(idx_scr, dest_ref, te_ref, tv_ref)


def _shared_router(x2d, Wg_s, Wu_s, Wd_s, Wr):
    s = x2d.shape[0]
    nb = (s * _K) // _BT
    return pl.pallas_call(
        _shared_router_body,
        grid=(s // _TM,),
        in_specs=[
            pl.BlockSpec((_TM, _H), lambda i: (i, 0)),
            pl.BlockSpec((_H, _I), lambda i: (0, 0)),
            pl.BlockSpec((_H, _I), lambda i: (0, 0)),
            pl.BlockSpec((_I, _H), lambda i: (0, 0)),
            pl.BlockSpec((_H, _E), lambda i: (0, 0)),
        ],
        out_specs=[
            pl.BlockSpec((_TM, _HP), lambda i: (i, 0)),
            pl.BlockSpec((_K, _TM), lambda i: (0, i)),
            pl.BlockSpec((_TM, _HP), lambda i: (i, 0)),
            pl.BlockSpec((nb, _BT), lambda i: (0, 0)),
            pl.BlockSpec((1, 128), lambda i: (0, 0)),
            pl.BlockSpec((1, 128), lambda i: (0, 0)),
        ],
        out_shape=[
            jax.ShapeDtypeStruct((s, _HP), jnp.int32),
            jax.ShapeDtypeStruct((_K, s), jnp.float32),
            jax.ShapeDtypeStruct((s, _HP), jnp.int32),
            jax.ShapeDtypeStruct((nb, _BT), jnp.int32),
            jax.ShapeDtypeStruct((1, 128), jnp.int32),
            jax.ShapeDtypeStruct((1, 128), jnp.int32),
        ],
        scratch_shapes=[pltpu.VMEM((_K, s), jnp.int32)],
    )(x2d, Wg_s, Wu_s, Wd_s, Wr)


def _group_mlp_body(te_ref, tv_ref, xs_ref, wg_ref, wu_ref, wd_ref, out_ref):
    del te_ref
    t = pl.program_id(0)

    @pl.when(tv_ref[0, t] == 1)
    def _():
        xt = _unpack_bf16(xs_ref[...])
        g = jnp.dot(xt, wg_ref[0].astype(jnp.bfloat16),
                    preferred_element_type=jnp.float32)
        u = jnp.dot(xt, wu_ref[0].astype(jnp.bfloat16),
                    preferred_element_type=jnp.float32)
        h = (jax.nn.sigmoid(g) * u).astype(jnp.bfloat16)
        out_ref[...] = _pack_bf16(
            jnp.dot(h, wd_ref[0].astype(jnp.bfloat16),
                    preferred_element_type=jnp.float32))


def _group_mlp(xs, Wg, Wu, Wd, tile_eid, tile_valid):
    grid_spec = pltpu.PrefetchScalarGridSpec(
        num_scalar_prefetch=2,
        grid=(_TMAX,),
        in_specs=[
            pl.BlockSpec((_BT, _HP), lambda t, te, tv: (t * tv[0, t], 0)),
            pl.BlockSpec((1, _H, _I), lambda t, te, tv: (te[0, t], 0, 0)),
            pl.BlockSpec((1, _H, _I), lambda t, te, tv: (te[0, t], 0, 0)),
            pl.BlockSpec((1, _I, _H), lambda t, te, tv: (te[0, t], 0, 0)),
        ],
        out_specs=pl.BlockSpec(
            (_BT, _HP),
            lambda t, te, tv: (t * tv[0, t] + (1 - tv[0, t]) * _TMAX, 0)),
    )
    return pl.pallas_call(
        _group_mlp_body,
        grid_spec=grid_spec,
        out_shape=jax.ShapeDtypeStruct(((_TMAX + 1) * _BT, _HP), jnp.int32),
    )(tile_eid, tile_valid, xs, Wg, Wu, Wd)


def _sc_gather_rows(table, idx2, chunk):
    nw, b_per_w = idx2.shape
    b = nw * b_per_w
    d = table.shape[1]
    mesh = plsc.VectorSubcoreMesh(core_axis_name="c", subcore_axis_name="s",
                                  num_cores=2, num_subcores=16)

    @functools.partial(
        pl.kernel,
        out_type=jax.ShapeDtypeStruct((b, d), table.dtype),
        mesh=mesh,
        scratch_types=[
            pltpu.VMEM((2, chunk), jnp.int32),
            pltpu.VMEM((chunk, d), table.dtype),
            pltpu.VMEM((chunk, d), table.dtype),
            pltpu.SemaphoreType.DMA,
            pltpu.SemaphoreType.DMA,
        ],
    )
    def k(table_hbm, idx_hbm, out_hbm, idx_v, rows_a, rows_b, sg, ss):
        wid = lax.axis_index("s") * 2 + lax.axis_index("c")
        base = wid * b_per_w
        pltpu.sync_copy(idx_hbm.at[wid, pl.ds(0, chunk)], idx_v.at[0])
        pltpu.sync_copy(idx_hbm.at[wid, pl.ds(chunk, chunk)], idx_v.at[1])
        ga = pltpu.async_copy(table_hbm.at[idx_v.at[0]], rows_a, sg)
        gb = pltpu.async_copy(table_hbm.at[idx_v.at[1]], rows_b, sg)
        ga.wait()
        wa = pltpu.async_copy(rows_a, out_hbm.at[pl.ds(base, chunk)], ss)
        gb.wait()
        wb = pltpu.async_copy(rows_b, out_hbm.at[pl.ds(base + chunk, chunk)], ss)
        wa.wait()
        wb.wait()

    return k(table, idx2)


def _sc_scatter_rows(table, dst_idx2, out_rows, chunk):
    s, d = table.shape
    nw, b_per_w = dst_idx2.shape
    mesh = plsc.VectorSubcoreMesh(core_axis_name="c", subcore_axis_name="s",
                                  num_cores=2, num_subcores=16)

    @functools.partial(
        pl.kernel,
        out_type=jax.ShapeDtypeStruct((out_rows, d), table.dtype),
        mesh=mesh,
        scratch_types=[
            pltpu.VMEM((2, chunk), jnp.int32),
            pltpu.VMEM((chunk, d), table.dtype),
            pltpu.VMEM((chunk, d), table.dtype),
            pltpu.SemaphoreType.DMA,
            pltpu.SemaphoreType.DMA,
        ],
    )
    def k(table_hbm, idx_hbm, out_hbm, idx_v, rows_a, rows_b, sg, ss):
        wid = lax.axis_index("s") * 2 + lax.axis_index("c")
        base = wid * b_per_w
        src = lax.rem(base, s)
        pltpu.sync_copy(idx_hbm.at[wid, pl.ds(0, chunk)], idx_v.at[0])
        pltpu.sync_copy(idx_hbm.at[wid, pl.ds(chunk, chunk)], idx_v.at[1])
        ga = pltpu.async_copy(table_hbm.at[pl.ds(src, chunk)], rows_a, sg)
        gb = pltpu.async_copy(table_hbm.at[pl.ds(src + chunk, chunk)], rows_b, sg)
        ga.wait()
        wa = pltpu.async_copy(rows_a, out_hbm.at[idx_v.at[0]], ss)
        gb.wait()
        wb = pltpu.async_copy(rows_b, out_hbm.at[idx_v.at[1]], ss)
        wa.wait()
        wb.wait()

    return k(table, dst_idx2)


def _combine_body(base_ref, p0_ref, p1_ref, w_ref, out_ref):
    w0 = w_ref[0, 0, :][:, None]
    w1 = w_ref[1, 0, :][:, None]
    p0 = _unpack_bf16(p0_ref[...]).astype(jnp.float32)
    p1 = _unpack_bf16(p1_ref[...]).astype(jnp.float32)
    bb = _unpack_bf16(base_ref[...]).astype(jnp.float32)
    out_ref[...] = bb + w0 * p0 + w1 * p1


def _combine(base, picked, w2s):
    s = base.shape[0]
    return pl.pallas_call(
        _combine_body,
        grid=(s // _TM,),
        in_specs=[
            pl.BlockSpec((_TM, _HP), lambda i: (i, 0)),
            pl.BlockSpec((_TM, _HP), lambda i: (i, 0)),
            pl.BlockSpec((_TM, _HP), lambda i, _o=s // _TM: (_o + i, 0)),
            pl.BlockSpec((_K, 1, _TM), lambda i: (0, 0, i)),
        ],
        out_specs=pl.BlockSpec((_TM, _H), lambda i: (i, 0)),
        out_shape=jax.ShapeDtypeStruct((s, _H), jnp.float32),
    )(base, picked, picked, w2s.reshape(_K, 1, s))


def _plan_body(idx_ref, dest_ref, te_ref, tv_ref):
    k_, s_ = idx_ref.shape
    nb = (k_ * s_) // _BT
    eid = idx_ref[...]
    lane = lax.broadcasted_iota(jnp.int32, (k_, s_, _E), 2)
    oh3 = (eid[:, :, None] == lane).astype(jnp.float32).reshape(nb, _BT, _E)
    r_i = lax.broadcasted_iota(jnp.int32, (_BT, _BT), 0)
    c_i = lax.broadcasted_iota(jnp.int32, (_BT, _BT), 1)
    ltri = (c_i < r_i).astype(jnp.float32)
    intra = jnp.stack([
        jnp.dot(ltri, oh3[b], preferred_element_type=jnp.float32)
        for b in range(nb)
    ])
    btot = jnp.sum(oh3, axis=1)
    rb_i = lax.broadcasted_iota(jnp.int32, (nb, nb), 0)
    cb_i = lax.broadcasted_iota(jnp.int32, (nb, nb), 1)
    lb = (cb_i > rb_i).astype(jnp.float32)
    boff = jnp.dot(lb.T, btot, preferred_element_type=jnp.float32)
    counts = jnp.sum(btot, axis=0).reshape(1, _E)
    tiles = jnp.floor((counts + (_BT - 1.0)) * (1.0 / _BT))
    re_i = lax.broadcasted_iota(jnp.int32, (_E, _E), 0)
    ce_i = lax.broadcasted_iota(jnp.int32, (_E, _E), 1)
    su = (re_i < ce_i).astype(jnp.float32)
    ts = jnp.dot(tiles, su, preferred_element_type=jnp.float32)
    base_f = ts * float(_BT)
    rank3 = intra + boff[:, None, :] + base_f[0][None, None, :]
    dest_ref[...] = jnp.sum(oh3 * rank3, axis=2).astype(jnp.int32)
    ts_i = ts.astype(jnp.int32)
    t_i = lax.broadcasted_iota(jnp.int32, (128, _E), 0)
    te = jnp.sum((ts_i[0][None, :] <= t_i).astype(jnp.int32), axis=1) - 1
    te_ref[...] = te.reshape(1, 128)
    total = jnp.sum(tiles).astype(jnp.int32)
    tv = (lax.broadcasted_iota(jnp.int32, (1, 128), 1) < total)
    tv_ref[...] = tv.astype(jnp.int32)


def kernel(x, Wg_s, Wu_s, Wd_s, Wg, Wu, Wd, Wr):
    b, s, h = x.shape
    flat = x.reshape(s, h)
    base, top_w2s, xpack, dest, tile_eid, tile_valid = _shared_router(
        flat, Wg_s, Wu_s, Wd_s, Wr)
    xs = _sc_scatter_rows(xpack, dest, _TMAX * _BT, 64)
    ys = _group_mlp(xs, Wg, Wu, Wd, tile_eid, tile_valid)
    picked = _sc_gather_rows(ys, dest, 64)
    return _combine(base, picked, top_w2s * _SCALE).reshape(b, s, h)

# --- scband reference (transcript-rebuilt; emitter-appended) ---
"""Pipeline reference for scband-baseline-mo-e-75110388072960 (READ-ONLY COPY).

The authoritative reference and input builder live on the scoring server;
editing this copy changes nothing except your own understanding.
"""

import jax, jax.numpy as jnp
import numpy as np

H = 768
I = 256
E = 64
TOP_K = 2
SCALE = 1.0
B = 1
S = 2048


def setup_inputs(seed: int = 0) -> dict:
    key = jax.random.key(seed)
    ks = jax.random.split(key, 8)
    x = jax.random.normal(ks[0], (B, S, H), dtype=jnp.float32)
    sH = 1.0 / np.sqrt(H)
    sI = 1.0 / np.sqrt(I)
    # shared expert (n_shared_experts = 1)
    Wg_s = jax.random.uniform(ks[1], (H, I), jnp.float32, -sH, sH)
    Wu_s = jax.random.uniform(ks[2], (H, I), jnp.float32, -sH, sH)
    Wd_s = jax.random.uniform(ks[3], (I, H), jnp.float32, -sI, sI)
    # routed experts stacked: weights stored pre-transposed for x @ W
    Wg = jax.random.uniform(ks[4], (E, H, I), jnp.float32, -sH, sH)
    Wu = jax.random.uniform(ks[5], (E, H, I), jnp.float32, -sH, sH)
    Wd = jax.random.uniform(ks[6], (E, I, H), jnp.float32, -sI, sI)
    # router
    Wr = jax.random.uniform(ks[7], (H, E), jnp.float32, -sH, sH)
    return {"x": x, "Wg_s": Wg_s, "Wu_s": Wu_s, "Wd_s": Wd_s,
            "Wg": Wg, "Wu": Wu, "Wd": Wd, "Wr": Wr}


def reference(x, Wg_s, Wu_s, Wd_s, Wg, Wu, Wd, Wr):
    b, s, h = x.shape
    residual = x
    flat = x.reshape(-1, h)
    # shared expert MLP: down(sigmoid(gate(x)) * up(x))
    shared_out = (jax.nn.sigmoid(flat @ Wg_s) * (flat @ Wu_s)) @ Wd_s
    # router
    logits = flat @ Wr
    weights = jax.nn.softmax(logits, axis=-1)
    top_w, top_idx = jax.lax.top_k(weights, TOP_K)
    top_w = top_w * SCALE
    # dispatch[t, e] = sum_k top_w[t, k] * 1[top_idx[t, k] == e]
    dispatch = jnp.sum(jax.nn.one_hot(top_idx, E, dtype=flat.dtype) * top_w[..., None], axis=1)
    # mathematically equivalent to the masked per-expert loop: every expert
    # output is computed densely, then combined with the (mostly zero)
    # dispatch weights; identical math, static shapes.
    hgate = jnp.einsum('th,ehi->eti', flat, Wg)
    hup = jnp.einsum('th,ehi->eti', flat, Wu)
    eo = jnp.einsum('eti,eih->eth', jax.nn.sigmoid(hgate) * hup, Wd)
    routed_out = jnp.einsum('te,eth->th', dispatch, eo)
    out = residual + shared_out.reshape(b, s, h) + routed_out.reshape(b, s, h)
    return out

if __name__ == "__main__":
    import jax
    _d = setup_inputs()
    print(jax.jit(kernel)(*tuple(_d.values())))

</pallas_src>

<mosaic_0001>
#map = affine_map<(d0, d1) -> (0, 0)>
module attributes {stable_mosaic.version = 14 : i64} {
  func.func @k(%arg0: i32, %arg1: i32, %arg2: memref<2048x384xi32, #tpu.memory_space<hbm>>, %arg3: memref<32x128xi32, #tpu.memory_space<hbm>>, %arg4: memref<12288x384xi32, #tpu.memory_space<hbm>>, %arg5: memref<2x64xi32, #tpu.memory_space<vmem>>, %arg6: memref<64x384xi32, #tpu.memory_space<vmem>>, %arg7: memref<64x384xi32, #tpu.memory_space<vmem>>, %arg8: memref<!tpu.dma_semaphore, #tpu.memory_space<semaphore_mem>>, %arg9: memref<!tpu.dma_semaphore, #tpu.memory_space<semaphore_mem>>) attributes {dimension_semantics = [#tpu.dimension_semantics<core_parallel>, #tpu.dimension_semantics<subcore_parallel>], iteration_bounds = array<i64: 2, 16>, scalar_prefetch = 0 : i64, scratch_operands = 5 : i64, tpu.core_type = #tpu.core_type<sc_vector_subcore>, window_params = [{transform_indices = #map}, {transform_indices = #map}, {transform_indices = #map}]} {
    %mul3A = arith.constant 2 : i32
    %mul3A_0 = arith.muli %arg1, %mul3A : i32
    %add3A = arith.addi %mul3A_0, %arg0 : i32
    %mul3A_1 = arith.constant 128 : i32
    %mul3A_2 = arith.muli %add3A, %mul3A_1 : i32
    %rem3A = arith.constant 2048 : i32
    %rem3A_3 = arith.remsi %mul3A_2, %rem3A : i32
    %run_scoped3A = arith.constant 0 : i32
    "tpu.region"() ({
      %run_scoped3A_49 = tpu.sem_alloc : memref<!tpu.dma_semaphore, #tpu.memory_space<semaphore_mem>>
      %dma_start3A_50 = arith.constant 0 : i32
      %dma_start3A_51 = tpu.memref_slice %arg5[%run_scoped3A, %dma_start3A_50] : memref<2x64xi32, #tpu.memory_space<vmem>> -> memref<1x64xi32, #tpu.memory_space<vmem>>
      %dma_start3A_52 = tpu.memref_squeeze %dma_start3A_51 : memref<1x64xi32, #tpu.memory_space<vmem>> -> memref<64xi32, #tpu.memory_space<vmem>>
      %dma_start3A_53 = arith.constant 0 : i32
      %dma_start3A_54 = tpu.memref_slice %arg3[%add3A, %dma_start3A_53] : memref<32x128xi32, #tpu.memory_space<hbm>> -> memref<1x64xi32, #tpu.memory_space<hbm>>
      %dma_start3A_55 = tpu.memref_squeeze %dma_start3A_54 : memref<1x64xi32, #tpu.memory_space<hbm>> -> memref<64xi32, #tpu.memory_space<hbm>>
      %dma_start3A_56 = arith.constant 0 : i32
      %dma_start3A_57 = tpu.memref_slice %arg5[%run_scoped3A, %dma_start3A_56] : memref<2x64xi32, #tpu.memory_space<vmem>> -> memref<1x64xi32, #tpu.memory_space<vmem>>
      %dma_start3A_58 = tpu.memref_squeeze %dma_start3A_57 : memref<1x64xi32, #tpu.memory_space<vmem>> -> memref<64xi32, #tpu.memory_space<vmem>>
      %dma_start3A_59 = arith.constant 0 : i32
      %dma_start3A_60 = tpu.memref_slice %arg3[%add3A, %dma_start3A_59] : memref<32x128xi32, #tpu.memory_space<hbm>> -> memref<1x64xi32, #tpu.memory_space<hbm>>
      %dma_start3A_61 = tpu.memref_squeeze %dma_start3A_60 : memref<1x64xi32, #tpu.memory_space<hbm>> -> memref<64xi32, #tpu.memory_space<hbm>>
      tpu.enqueue_dma source(%dma_start3A_61 : memref<64xi32, #tpu.memory_space<hbm>>) target(%dma_start3A_58 : memref<64xi32, #tpu.memory_space<vmem>>) target_semaphore(%run_scoped3A_49 : memref<!tpu.dma_semaphore, #tpu.memory_space<semaphore_mem>>)
      %dma_wait3A_62 = arith.constant 0 : i32
      %dma_wait3A_63 = tpu.memref_slice %arg5[%run_scoped3A, %dma_wait3A_62] : memref<2x64xi32, #tpu.memory_space<vmem>> -> memref<1x64xi32, #tpu.memory_space<vmem>>
      %dma_wait3A_64 = tpu.memref_squeeze %dma_wait3A_63 : memref<1x64xi32, #tpu.memory_space<vmem>> -> memref<64xi32, #tpu.memory_space<vmem>>
      %dma_wait3A_65 = arith.constant 0 : i32
      %dma_wait3A_66 = tpu.memref_slice %arg3[%add3A, %dma_wait3A_65] : memref<32x128xi32, #tpu.memory_space<hbm>> -> memref<1x64xi32, #tpu.memory_space<hbm>>
      %dma_wait3A_67 = tpu.memref_squeeze %dma_wait3A_66 : memref<1x64xi32, #tpu.memory_space<hbm>> -> memref<64xi32, #tpu.memory_space<hbm>>
      %dma_wait3A_68 = arith.constant 0 : i32
      %dma_wait3A_69 = tpu.memref_slice %arg5[%run_scoped3A, %dma_wait3A_68] : memref<2x64xi32, #tpu.memory_space<vmem>> -> memref<1x64xi32, #tpu.memory_space<vmem>>
      %dma_wait3A_70 = tpu.memref_squeeze %dma_wait3A_69 : memref<1x64xi32, #tpu.memory_space<vmem>> -> memref<64xi32, #tpu.memory_space<vmem>>
      %dma_wait3A_71 = arith.constant 0 : i32
      %dma_wait3A_72 = tpu.memref_slice %arg3[%add3A, %dma_wait3A_71] : memref<32x128xi32, #tpu.memory_space<hbm>> -> memref<1x64xi32, #tpu.memory_space<hbm>>
      %dma_wait3A_73 = tpu.memref_squeeze %dma_wait3A_72 : memref<1x64xi32, #tpu.memory_space<hbm>> -> memref<64xi32, #tpu.memory_space<hbm>>
      tpu.wait_dma2 semaphore(%run_scoped3A_49 : memref<!tpu.dma_semaphore, #tpu.memory_space<semaphore_mem>>) src(%dma_wait3A_73 : memref<64xi32, #tpu.memory_space<hbm>>) dst(%dma_wait3A_70 : memref<64xi32, #tpu.memory_space<vmem>>)
      tpu.yield
    }) : () -> ()
    %run_scoped3A_4 = arith.constant 1 : i32
    "tpu.region"() ({
      %run_scoped3A_49 = tpu.sem_alloc : memref<!tpu.dma_semaphore, #tpu.memory_space<semaphore_mem>>
      %dma_start3A_50 = arith.constant 0 : i32
      %dma_start3A_51 = tpu.memref_slice %arg5[%run_scoped3A_4, %dma_start3A_50] : memref<2x64xi32, #tpu.memory_space<vmem>> -> memref<1x64xi32, #tpu.memory_space<vmem>>
      %dma_start3A_52 = tpu.memref_squeeze %dma_start3A_51 : memref<1x64xi32, #tpu.memory_space<vmem>> -> memref<64xi32, #tpu.memory_space<vmem>>
      %dma_start3A_53 = arith.constant 64 : i32
      %dma_start3A_54 = tpu.memref_slice %arg3[%add3A, %dma_start3A_53] : memref<32x128xi32, #tpu.memory_space<hbm>> -> memref<1x64xi32, #tpu.memory_space<hbm>>
      %dma_start3A_55 = tpu.memref_squeeze %dma_start3A_54 : memref<1x64xi32, #tpu.memory_space<hbm>> -> memref<64xi32, #tpu.memory_space<hbm>>
      %dma_start3A_56 = arith.constant 0 : i32
      %dma_start3A_57 = tpu.memref_slice %arg5[%run_scoped3A_4, %dma_start3A_56] : memref<2x64xi32, #tpu.memory_space<vmem>> -> memref<1x64xi32, #tpu.memory_space<vmem>>
      %dma_start3A_58 = tpu.memref_squeeze %dma_start3A_57 : memref<1x64xi32, #tpu.memory_space<vmem>> -> memref<64xi32, #tpu.memory_space<vmem>>
      %dma_start3A_59 = arith.constant 64 : i32
      %dma_start3A_60 = tpu.memref_slice %arg3[%add3A, %dma_start3A_59] : memref<32x128xi32, #tpu.memory_space<hbm>> -> memref<1x64xi32, #tpu.memory_space<hbm>>
      %dma_start3A_61 = tpu.memref_squeeze %dma_start3A_60 : memref<1x64xi32, #tpu.memory_space<hbm>> -> memref<64xi32, #tpu.memory_space<hbm>>
      tpu.enqueue_dma source(%dma_start3A_61 : memref<64xi32, #tpu.memory_space<hbm>>) target(%dma_start3A_58 : memref<64xi32, #tpu.memory_space<vmem>>) target_semaphore(%run_scoped3A_49 : memref<!tpu.dma_semaphore, #tpu.memory_space<semaphore_mem>>)
      %dma_wait3A_62 = arith.constant 0 : i32
      %dma_wait3A_63 = tpu.memref_slice %arg5[%run_scoped3A_4, %dma_wait3A_62] : memref<2x64xi32, #tpu.memory_space<vmem>> -> memref<1x64xi32, #tpu.memory_space<vmem>>
      %dma_wait3A_64 = tpu.memref_squeeze %dma_wait3A_63 : memref<1x64xi32, #tpu.memory_space<vmem>> -> memref<64xi32, #tpu.memory_space<vmem>>
      %dma_wait3A_65 = arith.constant 64 : i32
      %dma_wait3A_66 = tpu.memref_slice %arg3[%add3A, %dma_wait3A_65] : memref<32x128xi32, #tpu.memory_space<hbm>> -> memref<1x64xi32, #tpu.memory_space<hbm>>
      %dma_wait3A_67 = tpu.memref_squeeze %dma_wait3A_66 : memref<1x64xi32, #tpu.memory_space<hbm>> -> memref<64xi32, #tpu.memory_space<hbm>>
      %dma_wait3A_68 = arith.constant 0 : i32
      %dma_wait3A_69 = tpu.memref_slice %arg5[%run_scoped3A_4, %dma_wait3A_68] : memref<2x64xi32, #tpu.memory_space<vmem>> -> memref<1x64xi32, #tpu.memory_space<vmem>>
      %dma_wait3A_70 = tpu.memref_squeeze %dma_wait3A_69 : memref<1x64xi32, #tpu.memory_space<vmem>> -> memref<64xi32, #tpu.memory_space<vmem>>
      %dma_wait3A_71 = arith.constant 64 : i32
      %dma_wait3A_72 = tpu.memref_slice %arg3[%add3A, %dma_wait3A_71] : memref<32x128xi32, #tpu.memory_space<hbm>> -> memref<1x64xi32, #tpu.memory_space<hbm>>
      %dma_wait3A_73 = tpu.memref_squeeze %dma_wait3A_72 : memref<1x64xi32, #tpu.memory_space<hbm>> -> memref<64xi32, #tpu.memory_space<hbm>>
      tpu.wait_dma2 semaphore(%run_scoped3A_49 : memref<!tpu.dma_semaphore, #tpu.memory_space<semaphore_mem>>) src(%dma_wait3A_73 : memref<64xi32, #tpu.memory_space<hbm>>) dst(%dma_wait3A_70 : memref<64xi32, #tpu.memory_space<vmem>>)
      tpu.yield
    }) : () -> ()
    %dma_start3A = arith.constant 0 : i32
    %dma_start3A_5 = tpu.memref_slice %arg2[%rem3A_3, %dma_start3A] : memref<2048x384xi32, #tpu.memory_space<hbm>> -> memref<64x384xi32, #tpu.memory_space<hbm>>
    %dma_start3A_6 = arith.constant 0 : i32
    %dma_start3A_7 = tpu.memref_slice %arg2[%rem3A_3, %dma_start3A_6] : memref<2048x384xi32, #tpu.memory_space<hbm>> -> memref<64x384xi32, #tpu.memory_space<hbm>>
    tpu.enqueue_dma source(%dma_start3A_7 : memref<64x384xi32, #tpu.memory_space<hbm>>) target(%arg6 : memref<64x384xi32, #tpu.memory_space<vmem>>) target_semaphore(%arg8 : memref<!tpu.dma_semaphore, #tpu.memory_space<semaphore_mem>>)
    %add3A_8 = arith.constant 64 : i32
    %add3A_9 = arith.addi %rem3A_3, %add3A_8 : i32
    %dma_start3A_10 = arith.constant 0 : i32
    %dma_start3A_11 = tpu.memref_slice %arg2[%add3A_9, %dma_start3A_10] : memref<2048x384xi32, #tpu.memory_space<hbm>> -> memref<64x384xi32, #tpu.memory_space<hbm>>
    %dma_start3A_12 = arith.constant 0 : i32
    %dma_start3A_13 = tpu.memref_slice %arg2[%add3A_9, %dma_start3A_12] : memref<2048x384xi32, #tpu.memory_space<hbm>> -> memref<64x384xi32, #tpu.memory_space<hbm>>
    tpu.enqueue_dma source(%dma_start3A_13 : memref<64x384xi32, #tpu.memory_space<hbm>>) target(%arg7 : memref<64x384xi32, #tpu.memory_space<vmem>>) target_semaphore(%arg8 : memref<!tpu.dma_semaphore, #tpu.memory_space<semaphore_mem>>)
    %dma_wait3A = arith.constant 0 : i32
    %dma_wait3A_14 = tpu.memref_slice %arg2[%rem3A_3, %dma_wait3A] : memref<2048x384xi32, #tpu.memory_space<hbm>> -> memref<64x384xi32, #tpu.memory_space<hbm>>
    %dma_wait3A_15 = arith.constant 0 : i32
    %dma_wait3A_16 = tpu.memref_slice %arg2[%rem3A_3, %dma_wait3A_15] : memref<2048x384xi32, #tpu.memory_space<hbm>> -> memref<64x384xi32, #tpu.memory_space<hbm>>
    tpu.wait_dma2 semaphore(%arg8 : memref<!tpu.dma_semaphore, #tpu.memory_space<semaphore_mem>>) src(%dma_wait3A_16 : memref<64x384xi32, #tpu.memory_space<hbm>>) dst(%arg6 : memref<64x384xi32, #tpu.memory_space<vmem>>)
    %dma_start3A_17 = arith.constant 0 : i32
    %dma_start3A_18 = arith.constant 0 : i32
    %dma_start3A_19 = tpu.memref_slice %arg5[%dma_start3A_17, %dma_start3A_18] : memref<2x64xi32, #tpu.memory_space<vmem>> -> memref<1x64xi32, #tpu.memory_space<vmem>>
    %dma_start3A_20 = tpu.memref_squeeze %dma_start3A_19 : memref<1x64xi32, #tpu.memory_space<vmem>> -> memref<64xi32, #tpu.memory_space<vmem>>
    %dma_start3A_21 = arith.constant 0 : i32
    %dma_start3A_22 = arith.constant 0 : i32
    %dma_start3A_23 = tpu.memref_slice %arg4[%dma_start3A_21, %dma_start3A_22] : memref<12288x384xi32, #tpu.memory_space<hbm>> -> memref<12288x384xi32, #tpu.memory_space<hbm>>
    tpu.enqueue_indirect_dma source(%arg6 : memref<64x384xi32, #tpu.memory_space<vmem>>) target(%dma_start3A_23 : memref<12288x384xi32, #tpu.memory_space<hbm>>) offsets(%dma_start3A_20 : memref<64xi32, #tpu.memory_space<vmem>>) semaphore(%arg9 : memref<!tpu.dma_semaphore, #tpu.memory_space<semaphore_mem>>)
    %dma_wait3A_24 = arith.constant 0 : i32
    %dma_wait3A_25 = tpu.memref_slice %arg2[%add3A_9, %dma_wait3A_24] : memref<2048x384xi32, #tpu.memory_space<hbm>> -> memref<64x384xi32, #tpu.memory_space<hbm>>
    %dma_wait3A_26 = arith.constant 0 : i32
    %dma_wait3A_27 = tpu.memref_slice %arg2[%add3A_9, %dma_wait3A_26] : memref<2048x384xi32, #tpu.memory_space<hbm>> -> memref<64x384xi32, #tpu.memory_space<hbm>>
    tpu.wait_dma2 semaphore(%arg8 : memref<!tpu.dma_semaphore, #tpu.memory_space<semaphore_mem>>) src(%dma_wait3A_27 : memref<64x384xi32, #tpu.memory_space<hbm>>) dst(%arg7 : memref<64x384xi32, #tpu.memory_space<vmem>>)
    %dma_start3A_28 = arith.constant 1 : i32
    %dma_start3A_29 = arith.constant 0 : i32
    %dma_start3A_30 = tpu.memref_slice %arg5[%dma_start3A_28, %dma_start3A_29] : memref<2x64xi32, #tpu.memory_space<vmem>> -> memref<1x64xi32, #tpu.memory_space<vmem>>
    %dma_start3A_31 = tpu.memref_squeeze %dma_start3A_30 : memref<1x64xi32, #tpu.memory_space<vmem>> -> memref<64xi32, #tpu.memory_space<vmem>>
    %dma_start3A_32 = arith.constant 0 : i32
    %dma_start3A_33 = arith.constant 0 : i32
    %dma_start3A_34 = tpu.memref_slice %arg4[%dma_start3A_32, %dma_start3A_33] : memref<12288x384xi32, #tpu.memory_space<hbm>> -> memref<12288x384xi32, #tpu.memory_space<hbm>>
    tpu.enqueue_indirect_dma source(%arg7 : memref<64x384xi32, #tpu.memory_space<vmem>>) target(%dma_start3A_34 : memref<12288x384xi32, #tpu.memory_space<hbm>>) offsets(%dma_start3A_31 : memref<64xi32, #tpu.memory_space<vmem>>) semaphore(%arg9 : memref<!tpu.dma_semaphore, #tpu.memory_space<semaphore_mem>>)
    %dma_wait3A_35 = arith.constant 0 : i32
    %dma_wait3A_36 = arith.constant 0 : i32
    %dma_wait3A_37 = tpu.memref_slice %arg5[%dma_wait3A_35, %dma_wait3A_36] : memref<2x64xi32, #tpu.memory_space<vmem>> -> memref<1x64xi32, #tpu.memory_space<vmem>>
    %dma_wait3A_38 = tpu.memref_squeeze %dma_wait3A_37 : memref<1x64xi32, #tpu.memory_space<vmem>> -> memref<64xi32, #tpu.memory_space<vmem>>
    %dma_wait3A_39 = arith.constant 0 : i32
    %dma_wait3A_40 = arith.constant 0 : i32
    %dma_wait3A_41 = tpu.memref_slice %arg4[%dma_wait3A_39, %dma_wait3A_40] : memref<12288x384xi32, #tpu.memory_space<hbm>> -> memref<12288x384xi32, #tpu.memory_space<hbm>>
    tpu.wait_indirect_dma semaphore(%arg9 : memref<!tpu.dma_semaphore, #tpu.memory_space<semaphore_mem>>) src(%arg6 : memref<64x384xi32, #tpu.memory_space<vmem>>) dst(%dma_wait3A_41 : memref<12288x384xi32, #tpu.memory_space<hbm>>)
    %dma_wait3A_42 = arith.constant 1 : i32
    %dma_wait3A_43 = arith.constant 0 : i32
    %dma_wait3A_44 = tpu.memref_slice %arg5[%dma_wait3A_42, %dma_wait3A_43] : memref<2x64xi32, #tpu.memory_space<vmem>> -> memref<1x64xi32, #tpu.memory_space<vmem>>
    %dma_wait3A_45 = tpu.memref_squeeze %dma_wait3A_44 : memref<1x64xi32, #tpu.memory_space<vmem>> -> memref<64xi32, #tpu.memory_space<vmem>>
    %dma_wait3A_46 = arith.constant 0 : i32
    %dma_wait3A_47 = arith.constant 0 : i32
    %dma_wait3A_48 = tpu.memref_slice %arg4[%dma_wait3A_46, %dma_wait3A_47] : memref<12288x384xi32, #tpu.memory_space<hbm>> -> memref<12288x384xi32, #tpu.memory_space<hbm>>
    tpu.wait_indirect_dma semaphore(%arg9 : memref<!tpu.dma_semaphore, #tpu.memory_space<semaphore_mem>>) src(%arg7 : memref<64x384xi32, #tpu.memory_space<vmem>>) dst(%dma_wait3A_48 : memref<12288x384xi32, #tpu.memory_space<hbm>>)
    return
  }
}

#map = affine_map<(d0, d1) -> (0, 0)>
module attributes {stable_mosaic.version = 14 : i64} {
  func.func @k(%arg0: i32, %arg1: i32, %arg2: memref<12416x384xi32, #tpu.memory_space<hbm>>, %arg3: memref<32x128xi32, #tpu.memory_space<hbm>>, %arg4: memref<4096x384xi32, #tpu.memory_space<hbm>>, %arg5: memref<2x64xi32, #tpu.memory_space<vmem>>, %arg6: memref<64x384xi32, #tpu.memory_space<vmem>>, %arg7: memref<64x384xi32, #tpu.memory_space<vmem>>, %arg8: memref<!tpu.dma_semaphore, #tpu.memory_space<semaphore_mem>>, %arg9: memref<!tpu.dma_semaphore, #tpu.memory_space<semaphore_mem>>) attributes {dimension_semantics = [#tpu.dimension_semantics<core_parallel>, #tpu.dimension_semantics<subcore_parallel>], iteration_bounds = array<i64: 2, 16>, scalar_prefetch = 0 : i64, scratch_operands = 5 : i64, tpu.core_type = #tpu.core_type<sc_vector_subcore>, window_params = [{transform_indices = #map}, {transform_indices = #map}, {transform_indices = #map}]} {
    %mul3A = arith.constant 2 : i32
    %mul3A_0 = arith.muli %arg1, %mul3A : i32
    %add3A = arith.addi %mul3A_0, %arg0 : i32
    %mul3A_1 = arith.constant 128 : i32
    %mul3A_2 = arith.muli %add3A, %mul3A_1 : i32
    %run_scoped3A = arith.constant 0 : i32
    "tpu.region"() ({
      %run_scoped3A_48 = tpu.sem_alloc : memref<!tpu.dma_semaphore, #tpu.memory_space<semaphore_mem>>
      %dma_start3A_49 = arith.constant 0 : i32
      %dma_start3A_50 = tpu.memref_slice %arg5[%run_scoped3A, %dma_start3A_49] : memref<2x64xi32, #tpu.memory_space<vmem>> -> memref<1x64xi32, #tpu.memory_space<vmem>>
      %dma_start3A_51 = tpu.memref_squeeze %dma_start3A_50 : memref<1x64xi32, #tpu.memory_space<vmem>> -> memref<64xi32, #tpu.memory_space<vmem>>
      %dma_start3A_52 = arith.constant 0 : i32
      %dma_start3A_53 = tpu.memref_slice %arg3[%add3A, %dma_start3A_52] : memref<32x128xi32, #tpu.memory_space<hbm>> -> memref<1x64xi32, #tpu.memory_space<hbm>>
      %dma_start3A_54 = tpu.memref_squeeze %dma_start3A_53 : memref<1x64xi32, #tpu.memory_space<hbm>> -> memref<64xi32, #tpu.memory_space<hbm>>
      %dma_start3A_55 = arith.constant 0 : i32
      %dma_start3A_56 = tpu.memref_slice %arg5[%run_scoped3A, %dma_start3A_55] : memref<2x64xi32, #tpu.memory_space<vmem>> -> memref<1x64xi32, #tpu.memory_space<vmem>>
      %dma_start3A_57 = tpu.memref_squeeze %dma_start3A_56 : memref<1x64xi32, #tpu.memory_space<vmem>> -> memref<64xi32, #tpu.memory_space<vmem>>
      %dma_start3A_58 = arith.constant 0 : i32
      %dma_start3A_59 = tpu.memref_slice %arg3[%add3A, %dma_start3A_58] : memref<32x128xi32, #tpu.memory_space<hbm>> -> memref<1x64xi32, #tpu.memory_space<hbm>>
      %dma_start3A_60 = tpu.memref_squeeze %dma_start3A_59 : memref<1x64xi32, #tpu.memory_space<hbm>> -> memref<64xi32, #tpu.memory_space<hbm>>
      tpu.enqueue_dma source(%dma_start3A_60 : memref<64xi32, #tpu.memory_space<hbm>>) target(%dma_start3A_57 : memref<64xi32, #tpu.memory_space<vmem>>) target_semaphore(%run_scoped3A_48 : memref<!tpu.dma_semaphore, #tpu.memory_space<semaphore_mem>>)
      %dma_wait3A_61 = arith.constant 0 : i32
      %dma_wait3A_62 = tpu.memref_slice %arg5[%run_scoped3A, %dma_wait3A_61] : memref<2x64xi32, #tpu.memory_space<vmem>> -> memref<1x64xi32, #tpu.memory_space<vmem>>
      %dma_wait3A_63 = tpu.memref_squeeze %dma_wait3A_62 : memref<1x64xi32, #tpu.memory_space<vmem>> -> memref<64xi32, #tpu.memory_space<vmem>>
      %dma_wait3A_64 = arith.constant 0 : i32
      %dma_wait3A_65 = tpu.memref_slice %arg3[%add3A, %dma_wait3A_64] : memref<32x128xi32, #tpu.memory_space<hbm>> -> memref<1x64xi32, #tpu.memory_space<hbm>>
      %dma_wait3A_66 = tpu.memref_squeeze %dma_wait3A_65 : memref<1x64xi32, #tpu.memory_space<hbm>> -> memref<64xi32, #tpu.memory_space<hbm>>
      %dma_wait3A_67 = arith.constant 0 : i32
      %dma_wait3A_68 = tpu.memref_slice %arg5[%run_scoped3A, %dma_wait3A_67] : memref<2x64xi32, #tpu.memory_space<vmem>> -> memref<1x64xi32, #tpu.memory_space<vmem>>
      %dma_wait3A_69 = tpu.memref_squeeze %dma_wait3A_68 : memref<1x64xi32, #tpu.memory_space<vmem>> -> memref<64xi32, #tpu.memory_space<vmem>>
      %dma_wait3A_70 = arith.constant 0 : i32
      %dma_wait3A_71 = tpu.memref_slice %arg3[%add3A, %dma_wait3A_70] : memref<32x128xi32, #tpu.memory_space<hbm>> -> memref<1x64xi32, #tpu.memory_space<hbm>>
      %dma_wait3A_72 = tpu.memref_squeeze %dma_wait3A_71 : memref<1x64xi32, #tpu.memory_space<hbm>> -> memref<64xi32, #tpu.memory_space<hbm>>
      tpu.wait_dma2 semaphore(%run_scoped3A_48 : memref<!tpu.dma_semaphore, #tpu.memory_space<semaphore_mem>>) src(%dma_wait3A_72 : memref<64xi32, #tpu.memory_space<hbm>>) dst(%dma_wait3A_69 : memref<64xi32, #tpu.memory_space<vmem>>)
      tpu.yield
    }) : () -> ()
    %run_scoped3A_3 = arith.constant 1 : i32
    "tpu.region"() ({
      %run_scoped3A_48 = tpu.sem_alloc : memref<!tpu.dma_semaphore, #tpu.memory_space<semaphore_mem>>
      %dma_start3A_49 = arith.constant 0 : i32
      %dma_start3A_50 = tpu.memref_slice %arg5[%run_scoped3A_3, %dma_start3A_49] : memref<2x64xi32, #tpu.memory_space<vmem>> -> memref<1x64xi32, #tpu.memory_space<vmem>>
      %dma_start3A_51 = tpu.memref_squeeze %dma_start3A_50 : memref<1x64xi32, #tpu.memory_space<vmem>> -> memref<64xi32, #tpu.memory_space<vmem>>
      %dma_start3A_52 = arith.constant 64 : i32
      %dma_start3A_53 = tpu.memref_slice %arg3[%add3A, %dma_start3A_52] : memref<32x128xi32, #tpu.memory_space<hbm>> -> memref<1x64xi32, #tpu.memory_space<hbm>>
      %dma_start3A_54 = tpu.memref_squeeze %dma_start3A_53 : memref<1x64xi32, #tpu.memory_space<hbm>> -> memref<64xi32, #tpu.memory_space<hbm>>
      %dma_start3A_55 = arith.constant 0 : i32
      %dma_start3A_56 = tpu.memref_slice %arg5[%run_scoped3A_3, %dma_start3A_55] : memref<2x64xi32, #tpu.memory_space<vmem>> -> memref<1x64xi32, #tpu.memory_space<vmem>>
      %dma_start3A_57 = tpu.memref_squeeze %dma_start3A_56 : memref<1x64xi32, #tpu.memory_space<vmem>> -> memref<64xi32, #tpu.memory_space<vmem>>
      %dma_start3A_58 = arith.constant 64 : i32
      %dma_start3A_59 = tpu.memref_slice %arg3[%add3A, %dma_start3A_58] : memref<32x128xi32, #tpu.memory_space<hbm>> -> memref<1x64xi32, #tpu.memory_space<hbm>>
      %dma_start3A_60 = tpu.memref_squeeze %dma_start3A_59 : memref<1x64xi32, #tpu.memory_space<hbm>> -> memref<64xi32, #tpu.memory_space<hbm>>
      tpu.enqueue_dma source(%dma_start3A_60 : memref<64xi32, #tpu.memory_space<hbm>>) target(%dma_start3A_57 : memref<64xi32, #tpu.memory_space<vmem>>) target_semaphore(%run_scoped3A_48 : memref<!tpu.dma_semaphore, #tpu.memory_space<semaphore_mem>>)
      %dma_wait3A_61 = arith.constant 0 : i32
      %dma_wait3A_62 = tpu.memref_slice %arg5[%run_scoped3A_3, %dma_wait3A_61] : memref<2x64xi32, #tpu.memory_space<vmem>> -> memref<1x64xi32, #tpu.memory_space<vmem>>
      %dma_wait3A_63 = tpu.memref_squeeze %dma_wait3A_62 : memref<1x64xi32, #tpu.memory_space<vmem>> -> memref<64xi32, #tpu.memory_space<vmem>>
      %dma_wait3A_64 = arith.constant 64 : i32
      %dma_wait3A_65 = tpu.memref_slice %arg3[%add3A, %dma_wait3A_64] : memref<32x128xi32, #tpu.memory_space<hbm>> -> memref<1x64xi32, #tpu.memory_space<hbm>>
      %dma_wait3A_66 = tpu.memref_squeeze %dma_wait3A_65 : memref<1x64xi32, #tpu.memory_space<hbm>> -> memref<64xi32, #tpu.memory_space<hbm>>
      %dma_wait3A_67 = arith.constant 0 : i32
      %dma_wait3A_68 = tpu.memref_slice %arg5[%run_scoped3A_3, %dma_wait3A_67] : memref<2x64xi32, #tpu.memory_space<vmem>> -> memref<1x64xi32, #tpu.memory_space<vmem>>
      %dma_wait3A_69 = tpu.memref_squeeze %dma_wait3A_68 : memref<1x64xi32, #tpu.memory_space<vmem>> -> memref<64xi32, #tpu.memory_space<vmem>>
      %dma_wait3A_70 = arith.constant 64 : i32
      %dma_wait3A_71 = tpu.memref_slice %arg3[%add3A, %dma_wait3A_70] : memref<32x128xi32, #tpu.memory_space<hbm>> -> memref<1x64xi32, #tpu.memory_space<hbm>>
      %dma_wait3A_72 = tpu.memref_squeeze %dma_wait3A_71 : memref<1x64xi32, #tpu.memory_space<hbm>> -> memref<64xi32, #tpu.memory_space<hbm>>
      tpu.wait_dma2 semaphore(%run_scoped3A_48 : memref<!tpu.dma_semaphore, #tpu.memory_space<semaphore_mem>>) src(%dma_wait3A_72 : memref<64xi32, #tpu.memory_space<hbm>>) dst(%dma_wait3A_69 : memref<64xi32, #tpu.memory_space<vmem>>)
      tpu.yield
    }) : () -> ()
    %dma_start3A = arith.constant 0 : i32
    %dma_start3A_4 = arith.constant 0 : i32
    %dma_start3A_5 = tpu.memref_slice %arg5[%dma_start3A, %dma_start3A_4] : memref<2x64xi32, #tpu.memory_space<vmem>> -> memref<1x64xi32, #tpu.memory_space<vmem>>
    %dma_start3A_6 = tpu.memref_squeeze %dma_start3A_5 : memref<1x64xi32, #tpu.memory_space<vmem>> -> memref<64xi32, #tpu.memory_space<vmem>>
    %dma_start3A_7 = arith.constant 0 : i32
    %dma_start3A_8 = arith.constant 0 : i32
    %dma_start3A_9 = tpu.memref_slice %arg2[%dma_start3A_7, %dma_start3A_8] : memref<12416x384xi32, #tpu.memory_space<hbm>> -> memref<12416x384xi32, #tpu.memory_space<hbm>>
    tpu.enqueue_indirect_dma source(%dma_start3A_9 : memref<12416x384xi32, #tpu.memory_space<hbm>>) target(%arg6 : memref<64x384xi32, #tpu.memory_space<vmem>>) offsets(%dma_start3A_6 : memref<64xi32, #tpu.memory_space<vmem>>) semaphore(%arg8 : memref<!tpu.dma_semaphore, #tpu.memory_space<semaphore_mem>>)
    %dma_start3A_10 = arith.constant 1 : i32
    %dma_start3A_11 = arith.constant 0 : i32
    %dma_start3A_12 = tpu.memref_slice %arg5[%dma_start3A_10, %dma_start3A_11] : memref<2x64xi32, #tpu.memory_space<vmem>> -> memref<1x64xi32, #tpu.memory_space<vmem>>
    %dma_start3A_13 = tpu.memref_squeeze %dma_start3A_12 : memref<1x64xi32, #tpu.memory_space<vmem>> -> memref<64xi32, #tpu.memory_space<vmem>>
    %dma_start3A_14 = arith.constant 0 : i32
    %dma_start3A_15 = arith.constant 0 : i32
    %dma_start3A_16 = tpu.memref_slice %arg2[%dma_start3A_14, %dma_start3A_15] : memref<12416x384xi32, #tpu.memory_space<hbm>> -> memref<12416x384xi32, #tpu.memory_space<hbm>>
    tpu.enqueue_indirect_dma source(%dma_start3A_16 : memref<12416x384xi32, #tpu.memory_space<hbm>>) target(%arg7 : memref<64x384xi32, #tpu.memory_space<vmem>>) offsets(%dma_start3A_13 : memref<64xi32, #tpu.memory_space<vmem>>) semaphore(%arg8 : memref<!tpu.dma_semaphore, #tpu.memory_space<semaphore_mem>>)
    %dma_wait3A = arith.constant 0 : i32
    %dma_wait3A_17 = arith.constant 0 : i32
    %dma_wait3A_18 = tpu.memref_slice %arg5[%dma_wait3A, %dma_wait3A_17] : memref<2x64xi32, #tpu.memory_space<vmem>> -> memref<1x64xi32, #tpu.memory_space<vmem>>
    %dma_wait3A_19 = tpu.memref_squeeze %dma_wait3A_18 : memref<1x64xi32, #tpu.memory_space<vmem>> -> memref<64xi32, #tpu.memory_space<vmem>>
    %dma_wait3A_20 = arith.constant 0 : i32
    %dma_wait3A_21 = arith.constant 0 : i32
    %dma_wait3A_22 = tpu.memref_slice %arg2[%dma_wait3A_20, %dma_wait3A_21] : memref<12416x384xi32, #tpu.memory_space<hbm>> -> memref<12416x384xi32, #tpu.memory_space<hbm>>
    tpu.wait_indirect_dma semaphore(%arg8 : memref<!tpu.dma_semaphore, #tpu.memory_space<semaphore_mem>>) src(%dma_wait3A_22 : memref<12416x384xi32, #tpu.memory_space<hbm>>) dst(%arg6 : memref<64x384xi32, #tpu.memory_space<vmem>>)
    %dma_start3A_23 = arith.constant 0 : i32
    %dma_start3A_24 = tpu.memref_slice %arg4[%mul3A_2, %dma_start3A_23] : memref<4096x384xi32, #tpu.memory_space<hbm>> -> memref<64x384xi32, #tpu.memory_space<hbm>>
    %dma_start3A_25 = arith.constant 0 : i32
    %dma_start3A_26 = tpu.memref_slice %arg4[%mul3A_2, %dma_start3A_25] : memref<4096x384xi32, #tpu.memory_space<hbm>> -> memref<64x384xi32, #tpu.memory_space<hbm>>
    tpu.enqueue_dma source(%arg6 : memref<64x384xi32, #tpu.memory_space<vmem>>) target(%dma_start3A_26 : memref<64x384xi32, #tpu.memory_space<hbm>>) target_semaphore(%arg9 : memref<!tpu.dma_semaphore, #tpu.memory_space<semaphore_mem>>)
    %dma_wait3A_27 = arith.constant 1 : i32
    %dma_wait3A_28 = arith.constant 0 : i32
    %dma_wait3A_29 = tpu.memref_slice %arg5[%dma_wait3A_27, %dma_wait3A_28] : memref<2x64xi32, #tpu.memory_space<vmem>> -> memref<1x64xi32, #tpu.memory_space<vmem>>
    %dma_wait3A_30 = tpu.memref_squeeze %dma_wait3A_29 : memref<1x64xi32, #tpu.memory_space<vmem>> -> memref<64xi32, #tpu.memory_space<vmem>>
    %dma_wait3A_31 = arith.constant 0 : i32
    %dma_wait3A_32 = arith.constant 0 : i32
    %dma_wait3A_33 = tpu.memref_slice %arg2[%dma_wait3A_31, %dma_wait3A_32] : memref<12416x384xi32, #tpu.memory_space<hbm>> -> memref<12416x384xi32, #tpu.memory_space<hbm>>
    tpu.wait_indirect_dma semaphore(%arg8 : memref<!tpu.dma_semaphore, #tpu.memory_space<semaphore_mem>>) src(%dma_wait3A_33 : memref<12416x384xi32, #tpu.memory_space<hbm>>) dst(%arg7 : memref<64x384xi32, #tpu.memory_space<vmem>>)
    %add3A_34 = arith.constant 64 : i32
    %add3A_35 = arith.addi %mul3A_2, %add3A_34 : i32
    %dma_start3A_36 = arith.constant 0 : i32
    %dma_start3A_37 = tpu.memref_slice %arg4[%add3A_35, %dma_start3A_36] : memref<4096x384xi32, #tpu.memory_space<hbm>> -> memref<64x384xi32, #tpu.memory_space<hbm>>
    %dma_start3A_38 = arith.constant 0 : i32
    %dma_start3A_39 = tpu.memref_slice %arg4[%add3A_35, %dma_start3A_38] : memref<4096x384xi32, #tpu.memory_space<hbm>> -> memref<64x384xi32, #tpu.memory_space<hbm>>
    tpu.enqueue_dma source(%arg7 : memref<64x384xi32, #tpu.memory_space<vmem>>) target(%dma_start3A_39 : memref<64x384xi32, #tpu.memory_space<hbm>>) target_semaphore(%arg9 : memref<!tpu.dma_semaphore, #tpu.memory_space<semaphore_mem>>)
    %dma_wait3A_40 = arith.constant 0 : i32
    %dma_wait3A_41 = tpu.memref_slice %arg4[%mul3A_2, %dma_wait3A_40] : memref<4096x384xi32, #tpu.memory_space<hbm>> -> memref<64x384xi32, #tpu.memory_space<hbm>>
    %dma_wait3A_42 = arith.constant 0 : i32
    %dma_wait3A_43 = tpu.memref_slice %arg4[%mul3A_2, %dma_wait3A_42] : memref<4096x384xi32, #tpu.memory_space<hbm>> -> memref<64x384xi32, #tpu.memory_space<hbm>>
    tpu.wait_dma2 semaphore(%arg9 : memref<!tpu.dma_semaphore, #tpu.memory_space<semaphore_mem>>) src(%arg6 : memref<64x384xi32, #tpu.memory_space<vmem>>) dst(%dma_wait3A_43 : memref<64x384xi32, #tpu.memory_space<hbm>>)
    %dma_wait3A_44 = arith.constant 0 : i32
    %dma_wait3A_45 = tpu.memref_slice %arg4[%add3A_35, %dma_wait3A_44] : memref<4096x384xi32, #tpu.memory_space<hbm>> -> memref<64x384xi32, #tpu.memory_space<hbm>>
    %dma_wait3A_46 = arith.constant 0 : i32
    %dma_wait3A_47 = tpu.memref_slice %arg4[%add3A_35, %dma_wait3A_46] : memref<4096x384xi32, #tpu.memory_space<hbm>> -> memref<64x384xi32, #tpu.memory_space<hbm>>
    tpu.wait_dma2 semaphore(%arg9 : memref<!tpu.dma_semaphore, #tpu.memory_space<semaphore_mem>>) src(%arg7 : memref<64x384xi32, #tpu.memory_space<vmem>>) dst(%dma_wait3A_47 : memref<64x384xi32, #tpu.memory_space<hbm>>)
    return
  }
}

module attributes {stable_mosaic.version = 14 : i64} {
  func.func @_shared_router_body(%arg0: i32, %arg1: memref<256x768xf32, #tpu.memory_space<vmem>>, %arg2: memref<768x256xf32, #tpu.memory_space<vmem>>, %arg3: memref<768x256xf32, #tpu.memory_space<vmem>>, %arg4: memref<256x768xf32, #tpu.memory_space<vmem>>, %arg5: memref<768x64xf32, #tpu.memory_space<vmem>>, %arg6: memref<256x384xi32, #tpu.memory_space<vmem>>, %arg7: memref<2x256xf32, #tpu.memory_space<vmem>>, %arg8: memref<256x384xi32, #tpu.memory_space<vmem>>, %arg9: memref<32x128xi32, #tpu.memory_space<vmem>>, %arg10: memref<1x128xi32, #tpu.memory_space<vmem>>, %arg11: memref<1x128xi32, #tpu.memory_space<vmem>>, %arg12: memref<2x2048xi32, #tpu.memory_space<vmem>>) attributes {dimension_semantics = [#tpu.dimension_semantics<arbitrary>], iteration_bounds = array<i64: 8>, scalar_prefetch = 0 : i64, scratch_operands = 1 : i64, tpu.core_type = #tpu.core_type<tc>, window_params = [{transform_indices = @transform_0, window_bounds = array<i64: 256, 768>}, {pipeline_mode = #tpu.pipeline_mode<synchronous>, transform_indices = @transform_1, window_bounds = array<i64: 768, 256>}, {pipeline_mode = #tpu.pipeline_mode<synchronous>, transform_indices = @transform_2, window_bounds = array<i64: 768, 256>}, {pipeline_mode = #tpu.pipeline_mode<synchronous>, transform_indices = @transform_3, window_bounds = array<i64: 256, 768>}, {pipeline_mode = #tpu.pipeline_mode<synchronous>, transform_indices = @transform_4, window_bounds = array<i64: 768, 64>}, {transform_indices = @transform_5, window_bounds = array<i64: 256, 384>}, {transform_indices = @transform_6, window_bounds = array<i64: 2, 256>}, {transform_indices = @transform_7, window_bounds = array<i64: 256, 384>}, {pipeline_mode = #tpu.pipeline_mode<synchronous>, transform_indices = @transform_8, window_bounds = array<i64: 32, 128>}, {pipeline_mode = #tpu.pipeline_mode<synchronous>, transform_indices = @transform_9, window_bounds = array<i64: 1, 128>}, {pipeline_mode = #tpu.pipeline_mode<synchronous>, transform_indices = @transform_10, window_bounds = array<i64: 1, 128>}]} {
    %get3A = arith.constant 0 : index
    %get3A_0 = arith.constant 0 : index
    %get3A_1 = vector.load %arg1[%get3A, %get3A_0] : memref<256x768xf32, #tpu.memory_space<vmem>>, vector<256x768xf32>
    %convert_element_type3A = arith.truncf %get3A_1 : vector<256x768xf32> to vector<256x768xbf16>
    %get3A_2 = arith.constant 0 : index
    %get3A_3 = arith.constant 0 : index
    %get3A_4 = vector.load %arg2[%get3A_2, %get3A_3] : memref<768x256xf32, #tpu.memory_space<vmem>>, vector<768x256xf32>
    %convert_element_type3A_5 = arith.truncf %get3A_4 : vector<768x256xf32> to vector<768x256xbf16>
    %dot_general3A = arith.constant dense<0.000000e+00> : vector<256x256xf32>
    %dot_general3A_6 = tpu.matmul %convert_element_type3A, %convert_element_type3A_5, %dot_general3A {dimension_numbers = #tpu.dot_dimension_numbers<[1], [0], [0], [1], [0, 0, 1, 1], [], []>, transpose_lhs_hint = false} : vector<256x768xbf16>, vector<768x256xbf16>, vector<256x256xf32> -> vector<256x256xf32>
    %get3A_7 = arith.constant 0 : index
    %get3A_8 = arith.constant 0 : index
    %get3A_9 = vector.load %arg3[%get3A_7, %get3A_8] : memref<768x256xf32, #tpu.memory_space<vmem>>, vector<768x256xf32>
    %convert_element_type3A_10 = arith.truncf %get3A_9 : vector<768x256xf32> to vector<768x256xbf16>
    %dot_general3A_11 = arith.constant dense<0.000000e+00> : vector<256x256xf32>
    %dot_general3A_12 = tpu.matmul %convert_element_type3A, %convert_element_type3A_10, %dot_general3A_11 {dimension_numbers = #tpu.dot_dimension_numbers<[1], [0], [0], [1], [0, 0, 1, 1], [], []>, transpose_lhs_hint = false} : vector<256x768xbf16>, vector<768x256xbf16>, vector<256x256xf32> -> vector<256x256xf32>
    %logistic3A = arith.negf %dot_general3A_6 : vector<256x256xf32>
    %logistic3A_13 = math.exp %logistic3A : vector<256x256xf32>
    %logistic3A_14 = arith.constant 1.000000e+00 : f32
    %logistic3A_15 = vector.broadcast %logistic3A_14 : f32 to vector<256x256xf32>
    %logistic3A_16 = arith.addf %logistic3A_15, %logistic3A_13 : vector<256x256xf32>
    %logistic3A_17 = arith.divf %logistic3A_15, %logistic3A_16 : vector<256x256xf32>
    %mul3A = arith.mulf %logistic3A_17, %dot_general3A_12 : vector<256x256xf32>
    %convert_element_type3A_18 = arith.truncf %mul3A : vector<256x256xf32> to vector<256x256xbf16>
    %get3A_19 = arith.constant 0 : index
    %get3A_20 = arith.constant 0 : index
    %get3A_21 = vector.load %arg4[%get3A_19, %get3A_20] : memref<256x768xf32, #tpu.memory_space<vmem>>, vector<256x768xf32>
    %convert_element_type3A_22 = arith.truncf %get3A_21 : vector<256x768xf32> to vector<256x768xbf16>
    %dot_general3A_23 = arith.constant dense<0.000000e+00> : vector<256x768xf32>
    %dot_general3A_24 = tpu.matmul %convert_element_type3A_18, %convert_element_type3A_22, %dot_general3A_23 {dimension_numbers = #tpu.dot_dimension_numbers<[1], [0], [0], [1], [0, 0, 1, 1], [], []>, transpose_lhs_hint = false} : vector<256x256xbf16>, vector<256x768xbf16>, vector<256x768xf32> -> vector<256x768xf32>
    %add3A = arith.addf %get3A_1, %dot_general3A_24 : vector<256x768xf32>
    %convert_element_type3A_25 = arith.truncf %add3A : vector<256x768xf32> to vector<256x768xbf16>
    %slice3A = vector.extract_strided_slice %convert_element_type3A_25 {offsets = [0, 0], sizes = [256, 384], strides = [1, 1]} : vector<256x768xbf16> to vector<256x384xbf16>
    %bitcast_convert_type3A = tpu.bitcast %slice3A : vector<256x384xbf16> -> vector<256x384xi16>
    %convert_element_type3A_26 = arith.extsi %bitcast_convert_type3A : vector<256x384xi16> to vector<256x384xi32>
    %slice3A_27 = vector.extract_strided_slice %convert_element_type3A_25 {offsets = [0, 384], sizes = [256, 384], strides = [1, 1]} : vector<256x768xbf16> to vector<256x384xbf16>
    %bitcast_convert_type3A_28 = tpu.bitcast %slice3A_27 : vector<256x384xbf16> -> vector<256x384xi16>
    %convert_element_type3A_29 = arith.extsi %bitcast_convert_type3A_28 : vector<256x384xi16> to vector<256x384xi32>
    %and3A = arith.constant 65535 : i32
    %and3A_30 = vector.broadcast %and3A : i32 to vector<256x384xi32>
    %and3A_31 = arith.andi %convert_element_type3A_26, %and3A_30 : vector<256x384xi32>
    %shift_left3A = arith.constant 16 : i32
    %shift_left3A_32 = vector.broadcast %shift_left3A : i32 to vector<256x384xi32>
    %shift_left3A_33 = arith.shli %convert_element_type3A_29, %shift_left3A_32 : vector<256x384xi32>
    %or3A = arith.ori %and3A_31, %shift_left3A_33 : vector<256x384xi32>
    %swap3A = arith.constant 0 : index
    %swap3A_34 = arith.constant 0 : index
    %swap3A_35 = vector.load %arg6[%swap3A, %swap3A_34] : memref<256x384xi32, #tpu.memory_space<vmem>>, vector<256x384xi32>
    tpu.vector_store %arg6[%swap3A, %swap3A_34], %or3A {strides = array<i32>} : memref<256x384xi32, #tpu.memory_space<vmem>>, vector<256x384xi32>,
    %get3A_36 = arith.constant 0 : index
    %get3A_37 = arith.constant 0 : index
    %get3A_38 = vector.load %arg5[%get3A_36, %get3A_37] : memref<768x64xf32, #tpu.memory_space<vmem>>, vector<768x64xf32>
    %dot_general3A_39 = arith.constant dense<0.000000e+00> : vector<256x64xf32>
    %dot_general3A_40 = tpu.matmul %get3A_1, %get3A_38, %dot_general3A_39 {dimension_numbers = #tpu.dot_dimension_numbers<[1], [0], [0], [1], [0, 0, 1, 1], [], []>, transpose_lhs_hint = false} : vector<256x768xf32>, vector<768x64xf32>, vector<256x64xf32> -> vector<256x64xf32>
    %reduce_max3A = arith.constant dense<0xFF800000> : vector<256xf32>
    %reduce_max3A_41 = vector.multi_reduction <maximumf>, %dot_general3A_40, %reduce_max3A [1] : vector<256x64xf32> to vector<256xf32>
    %broadcast_in_dim3A = vector.shape_cast %reduce_max3A_41 : vector<256xf32> to vector<256x1xf32>
    %sub3A = vector.broadcast %broadcast_in_dim3A : vector<256x1xf32> to vector<256x64xf32>
    %sub3A_42 = arith.subf %dot_general3A_40, %sub3A : vector<256x64xf32>
    %exp3A = math.exp %sub3A_42 : vector<256x64xf32>
    %reduce_sum3A = arith.constant dense<0.000000e+00> : vector<256xf32>
    %reduce_sum3A_43 = vector.multi_reduction <add>, %exp3A, %reduce_sum3A [1] : vector<256x64xf32> to vector<256xf32>
    %broadcast_in_dim3A_44 = vector.shape_cast %reduce_sum3A_43 : vector<256xf32> to vector<256x1xf32>
    %div3A = vector.broadcast %broadcast_in_dim3A_44 : vector<256x1xf32> to vector<256x64xf32>
    %div3A_45 = arith.divf %exp3A, %div3A : vector<256x64xf32>
    %argmax3A = tpu.reduce_index %div3A_45 {axis = 1 : i32, kind = #tpu.reduction_kind<arg_max>} : vector<256x64xf32> -> vector<256xi32>
    %reduce_max3A_46 = arith.constant dense<0xFF800000> : vector<256xf32>
    %reduce_max3A_47 = vector.multi_reduction <maximumf>, %div3A_45, %reduce_max3A_46 [1] : vector<256x64xf32> to vector<256xf32>
    %iota3A = tpu.iota {dimensions = array<i32: 1>} : vector<256x64xi32>
    %broadcast_in_dim3A_48 = vector.shape_cast %argmax3A : vector<256xi32> to vector<256x1xi32>
    %eq3A = vector.broadcast %broadcast_in_dim3A_48 : vector<256x1xi32> to vector<256x64xi32>
    %eq3A_49 = arith.cmpi eq, %iota3A, %eq3A : vector<256x64xi32>
    %jit3A = arith.constant -1.000000e+00 : f32
    %broadcast_in_dim3A_50 = vector.broadcast %jit3A : f32 to vector<256x64xf32>
    %select_n3A = arith.select %eq3A_49, %broadcast_in_dim3A_50, %div3A_45 : vector<256x64xi1>, vector<256x64xf32>
    %argmax3A_51 = tpu.reduce_index %select_n3A {axis = 1 : i32, kind = #tpu.reduction_kind<arg_max>} : vector<256x64xf32> -> vector<256xi32>
    %reduce_max3A_52 = arith.constant dense<0xFF800000> : vector<256xf32>
    %reduce_max3A_53 = vector.multi_reduction <maximumf>, %select_n3A, %reduce_max3A_52 [1] : vector<256x64xf32> to vector<256xf32>
    %stack3A = vector.shape_cast %argmax3A : vector<256xi32> to vector<1x256xi32>
    %stack3A_54 = vector.shape_cast %argmax3A_51 : vector<256xi32> to vector<1x256xi32>
    %stack3A_55 = tpu.concatenate %stack3A, %stack3A_54 in 0 : vector<1x256xi32>, vector<1x256xi32> -> vector<2x256xi32>
    %mul3A_56 = arith.constant 256 : i32
    %mul3A_57 = arith.muli %arg0, %mul3A_56 : i32
    %swap3A_58 = arith.constant 0 : index
    %swap3A_59 = arith.index_cast %mul3A_57 : i32 to index
    %swap3A_60 = vector.load %arg12[%swap3A_58, %swap3A_59] : memref<2x2048xi32, #tpu.memory_space<vmem>>, vector<2x256xi32>
    tpu.vector_store %arg12[%swap3A_58, %swap3A_59], %stack3A_55 {strides = array<i32>} : memref<2x2048xi32, #tpu.memory_space<vmem>>, vector<2x256xi32>,
    %stack3A_61 = vector.shape_cast %reduce_max3A_47 : vector<256xf32> to vector<1x256xf32>
    %stack3A_62 = vector.shape_cast %reduce_max3A_53 : vector<256xf32> to vector<1x256xf32>
    %stack3A_63 = tpu.concatenate %stack3A_61, %stack3A_62 in 0 : vector<1x256xf32>, vector<1x256xf32> -> vector<2x256xf32>
    %swap3A_64 = arith.constant 0 : index
    %swap3A_65 = arith.constant 0 : index
    %swap3A_66 = vector.load %arg7[%swap3A_64, %swap3A_65] : memref<2x256xf32, #tpu.memory_space<vmem>>, vector<2x256xf32>
    tpu.vector_store %arg7[%swap3A_64, %swap3A_65], %stack3A_63 {strides = array<i32>} : memref<2x256xf32, #tpu.memory_space<vmem>>, vector<2x256xf32>,
    %slice3A_67 = vector.extract_strided_slice %convert_element_type3A {offsets = [0, 0], sizes = [256, 384], strides = [1, 1]} : vector<256x768xbf16> to vector<256x384xbf16>
    %bitcast_convert_type3A_68 = tpu.bitcast %slice3A_67 : vector<256x384xbf16> -> vector<256x384xi16>
    %convert_element_type3A_69 = arith.extsi %bitcast_convert_type3A_68 : vector<256x384xi16> to vector<256x384xi32>
    %slice3A_70 = vector.extract_strided_slice %convert_element_type3A {offsets = [0, 384], sizes = [256, 384], strides = [1, 1]} : vector<256x768xbf16> to vector<256x384xbf16>
    %bitcast_convert_type3A_71 = tpu.bitcast %slice3A_70 : vector<256x384xbf16> -> vector<256x384xi16>
    %convert_element_type3A_72 = arith.extsi %bitcast_convert_type3A_71 : vector<256x384xi16> to vector<256x384xi32>
    %and3A_73 = arith.constant 65535 : i32
    %and3A_74 = vector.broadcast %and3A_73 : i32 to vector<256x384xi32>
    %and3A_75 = arith.andi %convert_element_type3A_69, %and3A_74 : vector<256x384xi32>
    %shift_left3A_76 = arith.constant 16 : i32
    %shift_left3A_77 = vector.broadcast %shift_left3A_76 : i32 to vector<256x384xi32>
    %shift_left3A_78 = arith.shli %convert_element_type3A_72, %shift_left3A_77 : vector<256x384xi32>
    %or3A_79 = arith.ori %and3A_75, %shift_left3A_78 : vector<256x384xi32>
    %swap3A_80 = arith.constant 0 : index
    %swap3A_81 = arith.constant 0 : index
    %swap3A_82 = vector.load %arg8[%swap3A_80, %swap3A_81] : memref<256x384xi32, #tpu.memory_space<vmem>>, vector<256x384xi32>
    tpu.vector_store %arg8[%swap3A_80, %swap3A_81], %or3A_79 {strides = array<i32>} : memref<256x384xi32, #tpu.memory_space<vmem>>, vector<256x384xi32>,
    %eq3A_83 = arith.constant 7 : i32
    %eq3A_84 = arith.cmpi eq, %arg0, %eq3A_83 : i32
    %convert_element_type3A_85 = arith.extui %eq3A_84 : i1 to i32
    %cond3A = arith.constant 0 : i32
    %cond3A_86 = arith.cmpi ne, %convert_element_type3A_85, %cond3A : i32
    scf.if %cond3A_86 {
      %get3A_87 = arith.constant 0 : index
      %get3A_88 = arith.constant 0 : index
      %get3A_89 = vector.load %arg12[%get3A_87, %get3A_88] : memref<2x2048xi32, #tpu.memory_space<vmem>>, vector<2x2048xi32>
      %iota3A_90 = tpu.iota {dimensions = array<i32: 2>} : vector<2x2048x64xi32>
      %broadcast_in_dim3A_91 = vector.shape_cast %get3A_89 : vector<2x2048xi32> to vector<2x2048x1xi32>
      %eq3A_92 = vector.broadcast %broadcast_in_dim3A_91 : vector<2x2048x1xi32> to vector<2x2048x64xi32>
      %eq3A_93 = arith.cmpi eq, %eq3A_92, %iota3A_90 : vector<2x2048x64xi32>
      %convert_element_type3A_94 = arith.extui %eq3A_93 : vector<2x2048x64xi1> to vector<2x2048x64xi32>
      %convert_element_type3A_95 = arith.sitofp %convert_element_type3A_94 : vector<2x2048x64xi32> to vector<2x2048x64xf32>
      %reshape3A = vector.shape_cast %convert_element_type3A_95 : vector<2x2048x64xf32> to vector<32x128x64xf32>
      %iota3A_96 = tpu.iota {dimensions = array<i32: 0>} : vector<128x128xi32>
      %iota3A_97 = tpu.iota {dimensions = array<i32: 1>} : vector<128x128xi32>
      %lt3A = arith.cmpi slt, %iota3A_97, %iota3A_96 : vector<128x128xi32>
      %convert_element_type3A_98 = arith.extui %lt3A : vector<128x128xi1> to vector<128x128xi32>
      %convert_element_type3A_99 = arith.sitofp %convert_element_type3A_98 : vector<128x128xi32> to vector<128x128xf32>
      %slice3A_100 = vector.extract_strided_slice %reshape3A {offsets = [0, 0, 0], sizes = [1, 128, 64], strides = [1, 1, 1]} : vector<32x128x64xf32> to vector<1x128x64xf32>
      %squeeze3A = vector.shape_cast %slice3A_100 : vector<1x128x64xf32> to vector<128x64xf32>
      %dot_general3A_101 = arith.constant dense<0.000000e+00> : vector<128x64xf32>
      %dot_general3A_102 = tpu.matmul %convert_element_type3A_99, %squeeze3A, %dot_general3A_101 {dimension_numbers = #tpu.dot_dimension_numbers<[1], [0], [0], [1], [0, 0, 1, 1], [], []>, transpose_lhs_hint = false} : vector<128x128xf32>, vector<128x64xf32>, vector<128x64xf32> -> vector<128x64xf32>
      %slice3A_103 = vector.extract_strided_slice %reshape3A {offsets = [1, 0, 0], sizes = [1, 128, 64], strides = [1, 1, 1]} : vector<32x128x64xf32> to vector<1x128x64xf32>
      %squeeze3A_104 = vector.shape_cast %slice3A_103 : vector<1x128x64xf32> to vector<128x64xf32>
      %dot_general3A_105 = arith.constant dense<0.000000e+00> : vector<128x64xf32>
      %dot_general3A_106 = tpu.matmul %convert_element_type3A_99, %squeeze3A_104, %dot_general3A_105 {dimension_numbers = #tpu.dot_dimension_numbers<[1], [0], [0], [1], [0, 0, 1, 1], [], []>, transpose_lhs_hint = false} : vector<128x128xf32>, vector<128x64xf32>, vector<128x64xf32> -> vector<128x64xf32>
      %slice3A_107 = vector.extract_strided_slice %reshape3A {offsets = [2, 0, 0], sizes = [1, 128, 64], strides = [1, 1, 1]} : vector<32x128x64xf32> to vector<1x128x64xf32>
      %squeeze3A_108 = vector.shape_cast %slice3A_107 : vector<1x128x64xf32> to vector<128x64xf32>
      %dot_general3A_109 = arith.constant dense<0.000000e+00> : vector<128x64xf32>
      %dot_general3A_110 = tpu.matmul %convert_element_type3A_99, %squeeze3A_108, %dot_general3A_109 {dimension_numbers = #tpu.dot_dimension_numbers<[1], [0], [0], [1], [0, 0, 1, 1], [], []>, transpose_lhs_hint = false} : vector<128x128xf32>, vector<128x64xf32>, vector<128x64xf32> -> vector<128x64xf32>
      %slice3A_111 = vector.extract_strided_slice %reshape3A {offsets = [3, 0, 0], sizes = [1, 128, 64], strides = [1, 1, 1]} : vector<32x128x64xf32> to vector<1x128x64xf32>
      %squeeze3A_112 = vector.shape_cast %slice3A_111 : vector<1x128x64xf32> to vector<128x64xf32>
      %dot_general3A_113 = arith.constant dense<0.000000e+00> : vector<128x64xf32>
      %dot_general3A_114 = tpu.matmul %convert_element_type3A_99, %squeeze3A_112, %dot_general3A_113 {dimension_numbers = #tpu.dot_dimension_numbers<[1], [0], [0], [1], [0, 0, 1, 1], [], []>, transpose_lhs_hint = false} : vector<128x128xf32>, vector<128x64xf32>, vector<128x64xf32> -> vector<128x64xf32>
      %slice3A_115 = vector.extract_strided_slice %reshape3A {offsets = [4, 0, 0], sizes = [1, 128, 64], strides = [1, 1, 1]} : vector<32x128x64xf32> to vector<1x128x64xf32>
      %squeeze3A_116 = vector.shape_cast %slice3A_115 : vector<1x128x64xf32> to vector<128x64xf32>
      %dot_general3A_117 = arith.constant dense<0.000000e+00> : vector<128x64xf32>
      %dot_general3A_118 = tpu.matmul %convert_element_type3A_99, %squeeze3A_116, %dot_general3A_117 {dimension_numbers = #tpu.dot_dimension_numbers<[1], [0], [0], [1], [0, 0, 1, 1], [], []>, transpose_lhs_hint = false} : vector<128x128xf32>, vector<128x64xf32>, vector<128x64xf32> -> vector<128x64xf32>
      %slice3A_119 = vector.extract_strided_slice %reshape3A {offsets = [5, 0, 0], sizes = [1, 128, 64], strides = [1, 1, 1]} : vector<32x128x64xf32> to vector<1x128x64xf32>
      %squeeze3A_120 = vector.shape_cast %slice3A_119 : vector<1x128x64xf32> to vector<128x64xf32>
      %dot_general3A_121 = arith.constant dense<0.000000e+00> : vector<128x64xf32>
      %dot_general3A_122 = tpu.matmul %convert_element_type3A_99, %squeeze3A_120, %dot_general3A_121 {dimension_numbers = #tpu.dot_dimension_numbers<[1], [0], [0], [1], [0, 0, 1, 1], [], []>, transpose_lhs_hint = false} : vector<128x128xf32>, vector<128x64xf32>, vector<128x64xf32> -> vector<128x64xf32>
      %slice3A_123 = vector.extract_strided_slice %reshape3A {offsets = [6, 0, 0], sizes = [1, 128, 64], strides = [1, 1, 1]} : vector<32x128x64xf32> to vector<1x128x64xf32>
      %squeeze3A_124 = vector.shape_cast %slice3A_123 : vector<1x128x64xf32> to vector<128x64xf32>
      %dot_general3A_125 = arith.constant dense<0.000000e+00> : vector<128x64xf32>
      %dot_general3A_126 = tpu.matmul %convert_element_type3A_99, %squeeze3A_124, %dot_general3A_125 {dimension_numbers = #tpu.dot_dimension_numbers<[1], [0], [0], [1], [0, 0, 1, 1], [], []>, transpose_lhs_hint = false} : vector<128x128xf32>, vector<128x64xf32>, vector<128x64xf32> -> vector<128x64xf32>
      %slice3A_127 = vector.extract_strided_slice %reshape3A {offsets = [7, 0, 0], sizes = [1, 128, 64], strides = [1, 1, 1]} : vector<32x128x64xf32> to vector<1x128x64xf32>
      %squeeze3A_128 = vector.shape_cast %slice3A_127 : vector<1x128x64xf32> to vector<128x64xf32>
      %dot_general3A_129 = arith.constant dense<0.000000e+00> : vector<128x64xf32>
      %dot_general3A_130 = tpu.matmul %convert_element_type3A_99, %squeeze3A_128, %dot_general3A_129 {dimension_numbers = #tpu.dot_dimension_numbers<[1], [0], [0], [1], [0, 0, 1, 1], [], []>, transpose_lhs_hint = false} : vector<128x128xf32>, vector<128x64xf32>, vector<128x64xf32> -> vector<128x64xf32>
      %slice3A_131 = vector.extract_strided_slice %reshape3A {offsets = [8, 0, 0], sizes = [1, 128, 64], strides = [1, 1, 1]} : vector<32x128x64xf32> to vector<1x128x64xf32>
      %squeeze3A_132 = vector.shape_cast %slice3A_131 : vector<1x128x64xf32> to vector<128x64xf32>
      %dot_general3A_133 = arith.constant dense<0.000000e+00> : vector<128x64xf32>
      %dot_general3A_134 = tpu.matmul %convert_element_type3A_99, %squeeze3A_132, %dot_general3A_133 {dimension_numbers = #tpu.dot_dimension_numbers<[1], [0], [0], [1], [0, 0, 1, 1], [], []>, transpose_lhs_hint = false} : vector<128x128xf32>, vector<128x64xf32>, vector<128x64xf32> -> vector<128x64xf32>
      %slice3A_135 = vector.extract_strided_slice %reshape3A {offsets = [9, 0, 0], sizes = [1, 128, 64], strides = [1, 1, 1]} : vector<32x128x64xf32> to vector<1x128x64xf32>
      %squeeze3A_136 = vector.shape_cast %slice3A_135 : vector<1x128x64xf32> to vector<128x64xf32>
      %dot_general3A_137 = arith.constant dense<0.000000e+00> : vector<128x64xf32>
      %dot_general3A_138 = tpu.matmul %convert_element_type3A_99, %squeeze3A_136, %dot_general3A_137 {dimension_numbers = #tpu.dot_dimension_numbers<[1], [0], [0], [1], [0, 0, 1, 1], [], []>, transpose_lhs_hint = false} : vector<128x128xf32>, vector<128x64xf32>, vector<128x64xf32> -> vector<128x64xf32>
      %slice3A_139 = vector.extract_strided_slice %reshape3A {offsets = [10, 0, 0], sizes = [1, 128, 64], strides = [1, 1, 1]} : vector<32x128x64xf32> to vector<1x128x64xf32>
      %squeeze3A_140 = vector.shape_cast %slice3A_139 : vector<1x128x64xf32> to vector<128x64xf32>
      %dot_general3A_141 = arith.constant dense<0.000000e+00> : vector<128x64xf32>
      %dot_general3A_142 = tpu.matmul %convert_element_type3A_99, %squeeze3A_140, %dot_general3A_141 {dimension_numbers = #tpu.dot_dimension_numbers<[1], [0], [0], [1], [0, 0, 1, 1], [], []>, transpose_lhs_hint = false} : vector<128x128xf32>, vector<128x64xf32>, vector<128x64xf32> -> vector<128x64xf32>
      %slice3A_143 = vector.extract_strided_slice %reshape3A {offsets = [11, 0, 0], sizes = [1, 128, 64], strides = [1, 1, 1]} : vector<32x128x64xf32> to vector<1x128x64xf32>
      %squeeze3A_144 = vector.shape_cast %slice3A_143 : vector<1x128x64xf32> to vector<128x64xf32>
      %dot_general3A_145 = arith.constant dense<0.000000e+00> : vector<128x64xf32>
      %dot_general3A_146 = tpu.matmul %convert_element_type3A_99, %squeeze3A_144, %dot_general3A_145 {dimension_numbers = #tpu.dot_dimension_numbers<[1], [0], [0], [1], [0, 0, 1, 1], [], []>, transpose_lhs_hint = false} : vector<128x128xf32>, vector<128x64xf32>, vector<128x64xf32> -> vector<128x64xf32>
      %slice3A_147 = vector.extract_strided_slice %reshape3A {offsets = [12, 0, 0], sizes = [1, 128, 64], strides = [1, 1, 1]} : vector<32x128x64xf32> to vector<1x128x64xf32>
      %squeeze3A_148 = vector.shape_cast %slice3A_147 : vector<1x128x64xf32> to vector<128x64xf32>
      %dot_general3A_149 = arith.constant dense<0.000000e+00> : vector<128x64xf32>
      %dot_general3A_150 = tpu.matmul %convert_element_type3A_99, %squeeze3A_148, %dot_general3A_149 {dimension_numbers = #tpu.dot_dimension_numbers<[1], [0], [0], [1], [0, 0, 1, 1], [], []>, transpose_lhs_hint = false} : vector<128x128xf32>, vector<128x64xf32>, vector<128x64xf32> -> vector<128x64xf32>
      %slice3A_151 = vector.extract_strided_slice %reshape3A {offsets = [13, 0, 0], sizes = [1, 128, 64], strides = [1, 1, 1]} : vector<32x128x64xf32> to vector<1x128x64xf32>
      %squeeze3A_152 = vector.shape_cast %slice3A_151 : vector<1x128x64xf32> to vector<128x64xf32>
      %dot_general3A_153 = arith.constant dense<0.000000e+00> : vector<128x64xf32>
      %dot_general3A_154 = tpu.matmul %convert_element_type3A_99, %squeeze3A_152, %dot_general3A_153 {dimension_numbers = #tpu.dot_dimension_numbers<[1], [0], [0], [1], [0, 0, 1, 1], [], []>, transpose_lhs_hint = false} : vector<128x128xf32>, vector<128x64xf32>, vector<128x64xf32> -> vector<128x64xf32>
      %slice3A_155 = vector.extract_strided_slice %reshape3A {offsets = [14, 0, 0], sizes = [1, 128, 64], strides = [1, 1, 1]} : vector<32x128x64xf32> to vector<1x128x64xf32>
      %squeeze3A_156 = vector.shape_cast %slice3A_155 : vector<1x128x64xf32> to vector<128x64xf32>
      %dot_general3A_157 = arith.constant dense<0.000000e+00> : vector<128x64xf32>
      %dot_general3A_158 = tpu.matmul %convert_element_type3A_99, %squeeze3A_156, %dot_general3A_157 {dimension_numbers = #tpu.dot_dimension_numbers<[1], [0], [0], [1], [0, 0, 1, 1], [], []>, transpose_lhs_hint = false} : vector<128x128xf32>, vector<128x64xf32>, vector<128x64xf32> -> vector<128x64xf32>
      %slice3A_159 = vector.extract_strided_slice %reshape3A {offsets = [15, 0, 0], sizes = [1, 128, 64], strides = [1, 1, 1]} : vector<32x128x64xf32> to vector<1x128x64xf32>
      %squeeze3A_160 = vector.shape_cast %slice3A_159 : vector<1x128x64xf32> to vector<128x64xf32>
      %dot_general3A_161 = arith.constant dense<0.000000e+00> : vector<128x64xf32>
      %dot_general3A_162 = tpu.matmul %convert_element_type3A_99, %squeeze3A_160, %dot_general3A_161 {dimension_numbers = #tpu.dot_dimension_numbers<[1], [0], [0], [1], [0, 0, 1, 1], [], []>, transpose_lhs_hint = false} : vector<128x128xf32>, vector<128x64xf32>, vector<128x64xf32> -> vector<128x64xf32>
      %slice3A_163 = vector.extract_strided_slice %reshape3A {offsets = [16, 0, 0], sizes = [1, 128, 64], strides = [1, 1, 1]} : vector<32x128x64xf32> to vector<1x128x64xf32>
      %squeeze3A_164 = vector.shape_cast %slice3A_163 : vector<1x128x64xf32> to vector<128x64xf32>
      %dot_general3A_165 = arith.constant dense<0.000000e+00> : vector<128x64xf32>
      %dot_general3A_166 = tpu.matmul %convert_element_type3A_99, %squeeze3A_164, %dot_general3A_165 {dimension_numbers = #tpu.dot_dimension_numbers<[1], [0], [0], [1], [0, 0, 1, 1], [], []>, transpose_lhs_hint = false} : vector<128x128xf32>, vector<128x64xf32>, vector<128x64xf32> -> vector<128x64xf32>
      %slice3A_167 = vector.extract_strided_slice %reshape3A {offsets = [17, 0, 0], sizes = [1, 128, 64], strides = [1, 1, 1]} : vector<32x128x64xf32> to vector<1x128x64xf32>
      %squeeze3A_168 = vector.shape_cast %slice3A_167 : vector<1x128x64xf32> to vector<128x64xf32>
      %dot_general3A_169 = arith.constant dense<0.000000e+00> : vector<128x64xf32>
      %dot_general3A_170 = tpu.matmul %convert_element_type3A_99, %squeeze3A_168, %dot_general3A_169 {dimension_numbers = #tpu.dot_dimension_numbers<[1], [0], [0], [1], [0, 0, 1, 1], [], []>, transpose_lhs_hint = false} : vector<128x128xf32>, vector<128x64xf32>, vector<128x64xf32> -> vector<128x64xf32>
      %slice3A_171 = vector.extract_strided_slice %reshape3A {offsets = [18, 0, 0], sizes = [1, 128, 64], strides = [1, 1, 1]} : vector<32x128x64xf32> to vector<1x128x64xf32>
      %squeeze3A_172 = vector.shape_cast %slice3A_171 : vector<1x128x64xf32> to vector<128x64xf32>
      %dot_general3A_173 = arith.constant dense<0.000000e+00> : vector<128x64xf32>
      %dot_general3A_174 = tpu.matmul %convert_element_type3A_99, %squeeze3A_172, %dot_general3A_173 {dimension_numbers = #tpu.dot_dimension_numbers<[1], [0], [0], [1], [0, 0, 1, 1], [], []>, transpose_lhs_hint = false} : vector<128x128xf32>, vector<128x64xf32>, vector<128x64xf32> -> vector<128x64xf32>
      %slice3A_175 = vector.extract_strided_slice %reshape3A {offsets = [19, 0, 0], sizes = [1, 128, 64], strides = [1, 1, 1]} : vector<32x128x64xf32> to vector<1x128x64xf32>
      %squeeze3A_176 = vector.shape_cast %slice3A_175 : vector<1x128x64xf32> to vector<128x64xf32>
      %dot_general3A_177 = arith.constant dense<0.000000e+00> : vector<128x64xf32>
      %dot_general3A_178 = tpu.matmul %convert_element_type3A_99, %squeeze3A_176, %dot_general3A_177 {dimension_numbers = #tpu.dot_dimension_numbers<[1], [0], [0], [1], [0, 0, 1, 1], [], []>, transpose_lhs_hint = false} : vector<128x128xf32>, vector<128x64xf32>, vector<128x64xf32> -> vector<128x64xf32>
      %slice3A_179 = vector.extract_strided_slice %reshape3A {offsets = [20, 0, 0], sizes = [1, 128, 64], strides = [1, 1, 1]} : vector<32x128x64xf32> to vector<1x128x64xf32>
      %squeeze3A_180 = vector.shape_cast %slice3A_179 : vector<1x128x64xf32> to vector<128x64xf32>
      %dot_general3A_181 = arith.constant dense<0.000000e+00> : vector<128x64xf32>
      %dot_general3A_182 = tpu.matmul %convert_element_type3A_99, %squeeze3A_180, %dot_general3A_181 {dimension_numbers = #tpu.dot_dimension_numbers<[1], [0], [0], [1], [0, 0, 1, 1], [], []>, transpose_lhs_hint = false} : vector<128x128xf32>, vector<128x64xf32>, vector<128x64xf32> -> vector<128x64xf32>
      %slice3A_183 = vector.extract_strided_slice %reshape3A {offsets = [21, 0, 0], sizes = [1, 128, 64], strides = [1, 1, 1]} : vector<32x128x64xf32> to vector<1x128x64xf32>
      %squeeze3A_184 = vector.shape_cast %slice3A_183 : vector<1x128x64xf32> to vector<128x64xf32>
      %dot_general3A_185 = arith.constant dense<0.000000e+00> : vector<128x64xf32>
      %dot_general3A_186 = tpu.matmul %convert_element_type3A_99, %squeeze3A_184, %dot_general3A_185 {dimension_numbers = #tpu.dot_dimension_numbers<[1], [0], [0], [1], [0, 0, 1, 1], [], []>, transpose_lhs_hint = false} : vector<128x128xf32>, vector<128x64xf32>, vector<128x64xf32> -> vector<128x64xf32>
      %slice3A_187 = vector.extract_strided_slice %reshape3A {offsets = [22, 0, 0], sizes = [1, 128, 64], strides = [1, 1, 1]} : vector<32x128x64xf32> to vector<1x128x64xf32>
      %squeeze3A_188 = vector.shape_cast %slice3A_187 : vector<1x128x64xf32> to vector<128x64xf32>
      %dot_general3A_189 = arith.constant dense<0.000000e+00> : vector<128x64xf32>
      %dot_general3A_190 = tpu.matmul %convert_element_type3A_99, %squeeze3A_188, %dot_general3A_189 {dimension_numbers = #tpu.dot_dimension_numbers<[1], [0], [0], [1], [0, 0, 1, 1], [], []>, transpose_lhs_hint = false} : vector<128x128xf32>, vector<128x64xf32>, vector<128x64xf32> -> vector<128x64xf32>
      %slice3A_191 = vector.extract_strided_slice %reshape3A {offsets = [23, 0, 0], sizes = [1, 128, 64], strides = [1, 1, 1]} : vector<32x128x64xf32> to vector<1x128x64xf32>
      %squeeze3A_192 = vector.shape_cast %slice3A_191 : vector<1x128x64xf32> to vector<128x64xf32>
      %dot_general3A_193 = arith.constant dense<0.000000e+00> : vector<128x64xf32>
      %dot_general3A_194 = tpu.matmul %convert_element_type3A_99, %squeeze3A_192, %dot_general3A_193 {dimension_numbers = #tpu.dot_dimension_numbers<[1], [0], [0], [1], [0, 0, 1, 1], [], []>, transpose_lhs_hint = false} : vector<128x128xf32>, vector<128x64xf32>, vector<128x64xf32> -> vector<128x64xf32>
      %slice3A_195 = vector.extract_strided_slice %reshape3A {offsets = [24, 0, 0], sizes = [1, 128, 64], strides = [1, 1, 1]} : vector<32x128x64xf32> to vector<1x128x64xf32>
      %squeeze3A_196 = vector.shape_cast %slice3A_195 : vector<1x128x64xf32> to vector<128x64xf32>
      %dot_general3A_197 = arith.constant dense<0.000000e+00> : vector<128x64xf32>
      %dot_general3A_198 = tpu.matmul %convert_element_type3A_99, %squeeze3A_196, %dot_general3A_197 {dimension_numbers = #tpu.dot_dimension_numbers<[1], [0], [0], [1], [0, 0, 1, 1], [], []>, transpose_lhs_hint = false} : vector<128x128xf32>, vector<128x64xf32>, vector<128x64xf32> -> vector<128x64xf32>
      %slice3A_199 = vector.extract_strided_slice %reshape3A {offsets = [25, 0, 0], sizes = [1, 128, 64], strides = [1, 1, 1]} : vector<32x128x64xf32> to vector<1x128x64xf32>
      %squeeze3A_200 = vector.shape_cast %slice3A_199 : vector<1x128x64xf32> to vector<128x64xf32>
      %dot_general3A_201 = arith.constant dense<0.000000e+00> : vector<128x64xf32>
      %dot_general3A_202 = tpu.matmul %convert_element_type3A_99, %squeeze3A_200, %dot_general3A_201 {dimension_numbers = #tpu.dot_dimension_numbers<[1], [0], [0], [1], [0, 0, 1, 1], [], []>, transpose_lhs_hint = false} : vector<128x128xf32>, vector<128x64xf32>, vector<128x64xf32> -> vector<128x64xf32>
      %slice3A_203 = vector.extract_strided_slice %reshape3A {offsets = [26, 0, 0], sizes = [1, 128, 64], strides = [1, 1, 1]} : vector<32x128x64xf32> to vector<1x128x64xf32>
      %squeeze3A_204 = vector.shape_cast %slice3A_203 : vector<1x128x64xf32> to vector<128x64xf32>
      %dot_general3A_205 = arith.constant dense<0.000000e+00> : vector<128x64xf32>
      %dot_general3A_206 = tpu.matmul %convert_element_type3A_99, %squeeze3A_204, %dot_general3A_205 {dimension_numbers = #tpu.dot_dimension_numbers<[1], [0], [0], [1], [0, 0, 1, 1], [], []>, transpose_lhs_hint = false} : vector<128x128xf32>, vector<128x64xf32>, vector<128x64xf32> -> vector<128x64xf32>
      %slice3A_207 = vector.extract_strided_slice %reshape3A {offsets = [27, 0, 0], sizes = [1, 128, 64], strides = [1, 1, 1]} : vector<32x128x64xf32> to vector<1x128x64xf32>
      %squeeze3A_208 = vector.shape_cast %slice3A_207 : vector<1x128x64xf32> to vector<128x64xf32>
      %dot_general3A_209 = arith.constant dense<0.000000e+00> : vector<128x64xf32>
      %dot_general3A_210 = tpu.matmul %convert_element_type3A_99, %squeeze3A_208, %dot_general3A_209 {dimension_numbers = #tpu.dot_dimension_numbers<[1], [0], [0], [1], [0, 0, 1, 1], [], []>, transpose_lhs_hint = false} : vector<128x128xf32>, vector<128x64xf32>, vector<128x64xf32> -> vector<128x64xf32>
      %slice3A_211 = vector.extract_strided_slice %reshape3A {offsets = [28, 0, 0], sizes = [1, 128, 64], strides = [1, 1, 1]} : vector<32x128x64xf32> to vector<1x128x64xf32>
      %squeeze3A_212 = vector.shape_cast %slice3A_211 : vector<1x128x64xf32> to vector<128x64xf32>
      %dot_general3A_213 = arith.constant dense<0.000000e+00> : vector<128x64xf32>
      %dot_general3A_214 = tpu.matmul %convert_element_type3A_99, %squeeze3A_212, %dot_general3A_213 {dimension_numbers = #tpu.dot_dimension_numbers<[1], [0], [0], [1], [0, 0, 1, 1], [], []>, transpose_lhs_hint = false} : vector<128x128xf32>, vector<128x64xf32>, vector<128x64xf32> -> vector<128x64xf32>
      %slice3A_215 = vector.extract_strided_slice %reshape3A {offsets = [29, 0, 0], sizes = [1, 128, 64], strides = [1, 1, 1]} : vector<32x128x64xf32> to vector<1x128x64xf32>
      %squeeze3A_216 = vector.shape_cast %slice3A_215 : vector<1x128x64xf32> to vector<128x64xf32>
      %dot_general3A_217 = arith.constant dense<0.000000e+00> : vector<128x64xf32>
      %dot_general3A_218 = tpu.matmul %convert_element_type3A_99, %squeeze3A_216, %dot_general3A_217 {dimension_numbers = #tpu.dot_dimension_numbers<[1], [0], [0], [1], [0, 0, 1, 1], [], []>, transpose_lhs_hint = false} : vector<128x128xf32>, vector<128x64xf32>, vector<128x64xf32> -> vector<128x64xf32>
      %slice3A_219 = vector.extract_strided_slice %reshape3A {offsets = [30, 0, 0], sizes = [1, 128, 64], strides = [1, 1, 1]} : vector<32x128x64xf32> to vector<1x128x64xf32>
      %squeeze3A_220 = vector.shape_cast %slice3A_219 : vector<1x128x64xf32> to vector<128x64xf32>
      %dot_general3A_221 = arith.constant dense<0.000000e+00> : vector<128x64xf32>
      %dot_general3A_222 = tpu.matmul %convert_element_type3A_99, %squeeze3A_220, %dot_general3A_221 {dimension_numbers = #tpu.dot_dimension_numbers<[1], [0], [0], [1], [0, 0, 1, 1], [], []>, transpose_lhs_hint = false} : vector<128x128xf32>, vector<128x64xf32>, vector<128x64xf32> -> vector<128x64xf32>
      %slice3A_223 = vector.extract_strided_slice %reshape3A {offsets = [31, 0, 0], sizes = [1, 128, 64], strides = [1, 1, 1]} : vector<32x128x64xf32> to vector<1x128x64xf32>
      %squeeze3A_224 = vector.shape_cast %slice3A_223 : vector<1x128x64xf32> to vector<128x64xf32>
      %dot_general3A_225 = arith.constant dense<0.000000e+00> : vector<128x64xf32>
      %dot_general3A_226 = tpu.matmul %convert_element_type3A_99, %squeeze3A_224, %dot_general3A_225 {dimension_numbers = #tpu.dot_dimension_numbers<[1], [0], [0], [1], [0, 0, 1, 1], [], []>, transpose_lhs_hint = false} : vector<128x128xf32>, vector<128x64xf32>, vector<128x64xf32> -> vector<128x64xf32>
      %stack3A_227 = vector.shape_cast %dot_general3A_102 : vector<128x64xf32> to vector<1x128x64xf32>
      %stack3A_228 = vector.shape_cast %dot_general3A_106 : vector<128x64xf32> to vector<1x128x64xf32>
      %stack3A_229 = vector.shape_cast %dot_general3A_110 : vector<128x64xf32> to vector<1x128x64xf32>
      %stack3A_230 = vector.shape_cast %dot_general3A_114 : vector<128x64xf32> to vector<1x128x64xf32>
      %stack3A_231 = vector.shape_cast %dot_general3A_118 : vector<128x64xf32> to vector<1x128x64xf32>
      %stack3A_232 = vector.shape_cast %dot_general3A_122 : vector<128x64xf32> to vector<1x128x64xf32>
      %stack3A_233 = vector.shape_cast %dot_general3A_126 : vector<128x64xf32> to vector<1x128x64xf32>
      %stack3A_234 = vector.shape_cast %dot_general3A_130 : vector<128x64xf32> to vector<1x128x64xf32>
      %stack3A_235 = vector.shape_cast %dot_general3A_134 : vector<128x64xf32> to vector<1x128x64xf32>
      %stack3A_236 = vector.shape_cast %dot_general3A_138 : vector<128x64xf32> to vector<1x128x64xf32>
      %stack3A_237 = vector.shape_cast %dot_general3A_142 : vector<128x64xf32> to vector<1x128x64xf32>
      %stack3A_238 = vector.shape_cast %dot_general3A_146 : vector<128x64xf32> to vector<1x128x64xf32>
      %stack3A_239 = vector.shape_cast %dot_general3A_150 : vector<128x64xf32> to vector<1x128x64xf32>
      %stack3A_240 = vector.shape_cast %dot_general3A_154 : vector<128x64xf32> to vector<1x128x64xf32>
      %stack3A_241 = vector.shape_cast %dot_general3A_158 : vector<128x64xf32> to vector<1x128x64xf32>
      %stack3A_242 = vector.shape_cast %dot_general3A_162 : vector<128x64xf32> to vector<1x128x64xf32>
      %stack3A_243 = vector.shape_cast %dot_general3A_166 : vector<128x64xf32> to vector<1x128x64xf32>
      %stack3A_244 = vector.shape_cast %dot_general3A_170 : vector<128x64xf32> to vector<1x128x64xf32>
      %stack3A_245 = vector.shape_cast %dot_general3A_174 : vector<128x64xf32> to vector<1x128x64xf32>
      %stack3A_246 = vector.shape_cast %dot_general3A_178 : vector<128x64xf32> to vector<1x128x64xf32>
      %stack3A_247 = vector.shape_cast %dot_general3A_182 : vector<128x64xf32> to vector<1x128x64xf32>
      %stack3A_248 = vector.shape_cast %dot_general3A_186 : vector<128x64xf32> to vector<1x128x64xf32>
      %stack3A_249 = vector.shape_cast %dot_general3A_190 : vector<128x64xf32> to vector<1x128x64xf32>
      %stack3A_250 = vector.shape_cast %dot_general3A_194 : vector<128x64xf32> to vector<1x128x64xf32>
      %stack3A_251 = vector.shape_cast %dot_general3A_198 : vector<128x64xf32> to vector<1x128x64xf32>
      %stack3A_252 = vector.shape_cast %dot_general3A_202 : vector<128x64xf32> to vector<1x128x64xf32>
      %stack3A_253 = vector.shape_cast %dot_general3A_206 : vector<128x64xf32> to vector<1x128x64xf32>
      %stack3A_254 = vector.shape_cast %dot_general3A_210 : vector<128x64xf32> to vector<1x128x64xf32>
      %stack3A_255 = vector.shape_cast %dot_general3A_214 : vector<128x64xf32> to vector<1x128x64xf32>
      %stack3A_256 = vector.shape_cast %dot_general3A_218 : vector<128x64xf32> to vector<1x128x64xf32>
      %stack3A_257 = vector.shape_cast %dot_general3A_222 : vector<128x64xf32> to vector<1x128x64xf32>
      %stack3A_258 = vector.shape_cast %dot_general3A_226 : vector<128x64xf32> to vector<1x128x64xf32>
      %stack3A_259 = tpu.concatenate %stack3A_227, %stack3A_228, %stack3A_229, %stack3A_230, %stack3A_231, %stack3A_232, %stack3A_233, %stack3A_234, %stack3A_235, %stack3A_236, %stack3A_237, %stack3A_238, %stack3A_239, %stack3A_240, %stack3A_241, %stack3A_242, %stack3A_243, %stack3A_244, %stack3A_245, %stack3A_246, %stack3A_247, %stack3A_248, %stack3A_249, %stack3A_250, %stack3A_251, %stack3A_252, %stack3A_253, %stack3A_254, %stack3A_255, %stack3A_256, %stack3A_257, %stack3A_258 in 0 : vector<1x128x64xf32>, vector<1x128x64xf32>, vector<1x128x64xf32>, vector<1x128x64xf32>, vector<1x128x64xf32>, vector<1x128x64xf32>, vector<1x128x64xf32>, vector<1x128x64xf32>, vector<1x128x64xf32>, vector<1x128x64xf32>, vector<1x128x64xf32>, vector<1x128x64xf32>, vector<1x128x64xf32>, vector<1x128x64xf32>, vector<1x128x64xf32>, vector<1x128x64xf32>, vector<1x128x64xf32>, vector<1x128x64xf32>, vector<1x128x64xf32>, vector<1x128x64xf32>, vector<1x128x64xf32>, vector<1x128x64xf32>, vector<1x128x64xf32>, vector<1x128x64xf32>, vector<1x128x64xf32>, vector<1x128x64xf32>, vector<1x128x64xf32>, vector<1x128x64xf32>, vector<1x128x64xf32>, vector<1x128x64xf32>, vector<1x128x64xf32>, vector<1x128x64xf32> -> vector<32x128x64xf32>
      %reduce_sum3A_260 = arith.constant dense<0.000000e+00> : vector<32x64xf32>
      %reduce_sum3A_261 = vector.multi_reduction <add>, %reshape3A, %reduce_sum3A_260 [1] : vector<32x128x64xf32> to vector<32x64xf32>
      %iota3A_262 = tpu.iota {dimensions = array<i32: 0>} : vector<32x32xi32>
      %iota3A_263 = tpu.iota {dimensions = array<i32: 1>} : vector<32x32xi32>
      %gt3A = arith.cmpi sgt, %iota3A_263, %iota3A_262 : vector<32x32xi32>
      %convert_element_type3A_264 = arith.extui %gt3A : vector<32x32xi1> to vector<32x32xi32>
      %convert_element_type3A_265 = arith.sitofp %convert_element_type3A_264 : vector<32x32xi32> to vector<32x32xf32>
      %transpose3A = tpu.transpose %convert_element_type3A_265, [1, 0] : vector<32x32xf32> -> vector<32x32xf32>
      %dot_general3A_266 = arith.constant dense<0.000000e+00> : vector<32x64xf32>
      %dot_general3A_267 = tpu.matmul %transpose3A, %reduce_sum3A_261, %dot_general3A_266 {dimension_numbers = #tpu.dot_dimension_numbers<[1], [0], [0], [1], [0, 0, 1, 1], [], []>, transpose_lhs_hint = false} : vector<32x32xf32>, vector<32x64xf32>, vector<32x64xf32> -> vector<32x64xf32>
      %reduce_sum3A_268 = arith.constant dense<0.000000e+00> : vector<64xf32>
      %reduce_sum3A_269 = vector.multi_reduction <add>, %reduce_sum3A_261, %reduce_sum3A_268 [0] : vector<32x64xf32> to vector<64xf32>
      %reshape3A_270 = vector.shape_cast %reduce_sum3A_269 : vector<64xf32> to vector<1x64xf32>
      %add3A_271 = arith.constant 1.270000e+02 : f32
      %add3A_272 = vector.broadcast %add3A_271 : f32 to vector<1x64xf32>
      %add3A_273 = arith.addf %reshape3A_270, %add3A_272 : vector<1x64xf32>
      %mul3A_274 = arith.constant 7.812500e-03 : f32
      %mul3A_275 = vector.broadcast %mul3A_274 : f32 to vector<1x64xf32>
      %mul3A_276 = arith.mulf %add3A_273, %mul3A_275 : vector<1x64xf32>
      %floor3A = math.floor %mul3A_276 : vector<1x64xf32>
      %iota3A_277 = tpu.iota {dimensions = array<i32: 0>} : vector<64x64xi32>
      %iota3A_278 = tpu.iota {dimensions = array<i32: 1>} : vector<64x64xi32>
      %lt3A_279 = arith.cmpi slt, %iota3A_277, %iota3A_278 : vector<64x64xi32>
      %convert_element_type3A_280 = arith.extui %lt3A_279 : vector<64x64xi1> to vector<64x64xi32>
      %convert_element_type3A_281 = arith.sitofp %convert_element_type3A_280 : vector<64x64xi32> to vector<64x64xf32>
      %dot_general3A_282 = arith.constant dense<0.000000e+00> : vector<1x64xf32>
      %dot_general3A_283 = tpu.matmul %floor3A, %convert_element_type3A_281, %dot_general3A_282 {dimension_numbers = #tpu.dot_dimension_numbers<[1], [0], [0], [1], [0, 0, 1, 1], [], []>, transpose_lhs_hint = false} : vector<1x64xf32>, vector<64x64xf32>, vector<1x64xf32> -> vector<1x64xf32>
      %mul3A_284 = arith.constant 1.280000e+02 : f32
      %mul3A_285 = vector.broadcast %mul3A_284 : f32 to vector<1x64xf32>
      %mul3A_286 = arith.mulf %dot_general3A_283, %mul3A_285 : vector<1x64xf32>
      %broadcast_in_dim3A_287 = vector.shape_cast %dot_general3A_267 : vector<32x64xf32> to vector<32x1x64xf32>
      %add3A_288 = vector.broadcast %broadcast_in_dim3A_287 : vector<32x1x64xf32> to vector<32x128x64xf32>
      %add3A_289 = arith.addf %stack3A_259, %add3A_288 : vector<32x128x64xf32>
      %squeeze3A_290 = vector.shape_cast %mul3A_286 : vector<1x64xf32> to vector<64xf32>
      %broadcast_in_dim3A_291 = vector.shape_cast %squeeze3A_290 : vector<64xf32> to vector<1x1x64xf32>
      %add3A_292 = vector.broadcast %broadcast_in_dim3A_291 : vector<1x1x64xf32> to vector<32x128x64xf32>
      %add3A_293 = arith.addf %add3A_289, %add3A_292 : vector<32x128x64xf32>
      %mul3A_294 = arith.mulf %reshape3A, %add3A_293 : vector<32x128x64xf32>
      %reduce_sum3A_295 = arith.constant dense<0.000000e+00> : vector<32x128xf32>
      %reduce_sum3A_296 = vector.multi_reduction <add>, %mul3A_294, %reduce_sum3A_295 [2] : vector<32x128x64xf32> to vector<32x128xf32>
      %convert_element_type3A_297 = arith.fptosi %reduce_sum3A_296 : vector<32x128xf32> to vector<32x128xi32>
      %swap3A_298 = arith.constant 0 : index
      %swap3A_299 = arith.constant 0 : index
      %swap3A_300 = vector.load %arg9[%swap3A_298, %swap3A_299] : memref<32x128xi32, #tpu.memory_space<vmem>>, vector<32x128xi32>
      tpu.vector_store %arg9[%swap3A_298, %swap3A_299], %convert_element_type3A_297 {strides = array<i32>} : memref<32x128xi32, #tpu.memory_space<vmem>>, vector<32x128xi32>,
      %convert_element_type3A_301 = arith.fptosi %dot_general3A_283 : vector<1x64xf32> to vector<1x64xi32>
      %iota3A_302 = tpu.iota {dimensions = array<i32: 0>} : vector<128x64xi32>
      %squeeze3A_303 = vector.shape_cast %convert_element_type3A_301 : vector<1x64xi32> to vector<64xi32>
      %broadcast_in_dim3A_304 = vector.shape_cast %squeeze3A_303 : vector<64xi32> to vector<1x64xi32>
      %le3A = vector.broadcast %broadcast_in_dim3A_304 : vector<1x64xi32> to vector<128x64xi32>
      %le3A_305 = arith.cmpi sle, %le3A, %iota3A_302 : vector<128x64xi32>
      %convert_element_type3A_306 = arith.extui %le3A_305 : vector<128x64xi1> to vector<128x64xi32>
      %reduce_sum3A_307 = arith.constant dense<0> : vector<128xi32>
      %reduce_sum3A_308 = vector.multi_reduction <add>, %convert_element_type3A_306, %reduce_sum3A_307 [1] : vector<128x64xi32> to vector<128xi32>
      %sub3A_309 = arith.constant 1 : i32
      %sub3A_310 = vector.broadcast %sub3A_309 : i32 to vector<128xi32>
      %sub3A_311 = arith.subi %reduce_sum3A_308, %sub3A_310 : vector<128xi32>
      %reshape3A_312 = vector.shape_cast %sub3A_311 : vector<128xi32> to vector<1x128xi32>
      %swap3A_313 = arith.constant 0 : index
      %swap3A_314 = arith.constant 0 : index
      %swap3A_315 = vector.load %arg10[%swap3A_313, %swap3A_314] : memref<1x128xi32, #tpu.memory_space<vmem>>, vector<1x128xi32>
      tpu.vector_store %arg10[%swap3A_313, %swap3A_314], %reshape3A_312 {strides = array<i32>} : memref<1x128xi32, #tpu.memory_space<vmem>>, vector<1x128xi32>,
      %reduce_sum3A_316 = vector.shape_cast %floor3A : vector<1x64xf32> to vector<1x1x64xf32>
      %reduce_sum3A_317 = arith.constant dense<0.000000e+00> : vector<1xf32>
      %reduce_sum3A_318 = vector.multi_reduction <add>, %reduce_sum3A_316, %reduce_sum3A_317 [1, 2] : vector<1x1x64xf32> to vector<1xf32>
      %reduce_sum3A_319 = vector.shape_cast %reduce_sum3A_318 : vector<1xf32> to vector<1x1x1xf32>
      %reduce_sum3A_320 = vector.extract %reduce_sum3A_319[0, 0, 0] : f32 from vector<1x1x1xf32>
      %convert_element_type3A_321 = arith.fptosi %reduce_sum3A_320 : f32 to i32
      %iota3A_322 = tpu.iota {dimensions = array<i32: 1>} : vector<1x128xi32>
      %lt3A_323 = vector.broadcast %convert_element_type3A_321 : i32 to vector<1x128xi32>
      %lt3A_324 = arith.cmpi slt, %iota3A_322, %lt3A_323 : vector<1x128xi32>
      %convert_element_type3A_325 = arith.extui %lt3A_324 : vector<1x128xi1> to vector<1x128xi32>
      %swap3A_326 = arith.constant 0 : index
      %swap3A_327 = arith.constant 0 : index
      %swap3A_328 = vector.load %arg11[%swap3A_326, %swap3A_327] : memref<1x128xi32, #tpu.memory_space<vmem>>, vector<1x128xi32>
      tpu.vector_store %arg11[%swap3A_326, %swap3A_327], %convert_element_type3A_325 {strides = array<i32>} : memref<1x128xi32, #tpu.memory_space<vmem>>, vector<1x128xi32>,
    } else {
    }
    return
  }
  func.func @transform_0(%arg0: i32) -> (i32, i32) {
    %c0_i32 = arith.constant 0 : i32
    %c0_i32_0 = arith.constant 0 : i32
    return %arg0, %c0_i32 : i32, i32
  }
  func.func @transform_1(%arg0: i32) -> (i32, i32) {
    %c0_i32 = arith.constant 0 : i32
    %c0_i32_0 = arith.constant 0 : i32
    %c0_i32_1 = arith.constant 0 : i32
    return %c0_i32, %c0_i32_0 : i32, i32
  }
  func.func @transform_2(%arg0: i32) -> (i32, i32) {
    %c0_i32 = arith.constant 0 : i32
    %c0_i32_0 = arith.constant 0 : i32
    %c0_i32_1 = arith.constant 0 : i32
    return %c0_i32, %c0_i32_0 : i32, i32
  }
  func.func @transform_3(%arg0: i32) -> (i32, i32) {
    %c0_i32 = arith.constant 0 : i32
    %c0_i32_0 = arith.constant 0 : i32
    %c0_i32_1 = arith.constant 0 : i32
    return %c0_i32, %c0_i32_0 : i32, i32
  }
  func.func @transform_4(%arg0: i32) -> (i32, i32) {
    %c0_i32 = arith.constant 0 : i32
    %c0_i32_0 = arith.constant 0 : i32
    %c0_i32_1 = arith.constant 0 : i32
    return %c0_i32, %c0_i32_0 : i32, i32
  }
  func.func @transform_5(%arg0: i32) -> (i32, i32) {
    %c0_i32 = arith.constant 0 : i32
    %c0_i32_0 = arith.constant 0 : i32
    return %arg0, %c0_i32 : i32, i32
  }
  func.func @transform_6(%arg0: i32) -> (i32, i32) {
    %c0_i32 = arith.constant 0 : i32
    %c0_i32_0 = arith.constant 0 : i32
    return %c0_i32, %arg0 : i32, i32
  }
  func.func @transform_7(%arg0: i32) -> (i32, i32) {
    %c0_i32 = arith.constant 0 : i32
    %c0_i32_0 = arith.constant 0 : i32
    return %arg0, %c0_i32 : i32, i32
  }
  func.func @transform_8(%arg0: i32) -> (i32, i32) {
    %c0_i32 = arith.constant 0 : i32
    %c0_i32_0 = arith.constant 0 : i32
    %c0_i32_1 = arith.constant 0 : i32
    return %c0_i32, %c0_i32_0 : i32, i32
  }
  func.func @transform_9(%arg0: i32) -> (i32, i32) {
    %c0_i32 = arith.constant 0 : i32
    %c0_i32_0 = arith.constant 0 : i32
    %c0_i32_1 = arith.constant 0 : i32
    return %c0_i32, %c0_i32_0 : i32, i32
  }
  func.func @transform_10(%arg0: i32) -> (i32, i32) {
    %c0_i32 = arith.constant 0 : i32
    %c0_i32_0 = arith.constant 0 : i32
    %c0_i32_1 = arith.constant 0 : i32
    return %c0_i32, %c0_i32_0 : i32, i32
  }
}

module attributes {stable_mosaic.version = 14 : i64} {
  func.func @_group_mlp_body(%arg0: i32, %arg1: memref<1x128xi32, #tpu.memory_space<smem>>, %arg2: memref<1x128xi32, #tpu.memory_space<smem>>, %arg3: memref<128x384xi32, #tpu.memory_space<vmem>>, %arg4: memref<1x768x256xf32, #tpu.memory_space<vmem>>, %arg5: memref<1x768x256xf32, #tpu.memory_space<vmem>>, %arg6: memref<1x256x768xf32, #tpu.memory_space<vmem>>, %arg7: memref<128x384xi32, #tpu.memory_space<vmem>>) attributes {dimension_semantics = [#tpu.dimension_semantics<arbitrary>], iteration_bounds = array<i64: 96>, scalar_prefetch = 2 : i64, scratch_operands = 0 : i64, tpu.core_type = #tpu.core_type<tc>, window_params = [{transform_indices = @transform_0, window_bounds = array<i64: 128, 384>}, {transform_indices = @transform_1, window_bounds = array<i64: 1, 768, 256>}, {transform_indices = @transform_2, window_bounds = array<i64: 1, 768, 256>}, {transform_indices = @transform_3, window_bounds = array<i64: 1, 256, 768>}, {transform_indices = @transform_4, window_bounds = array<i64: 128, 384>}]} {
    %get3A = arith.constant 0 : index
    %get3A_0 = arith.index_cast %arg0 : i32 to index
    %get3A_1 = memref.load %arg2[%get3A, %get3A_0] : memref<1x128xi32, #tpu.memory_space<smem>>
    %eq3A = arith.constant 1 : i32
    %eq3A_2 = arith.cmpi eq, %get3A_1, %eq3A : i32
    %convert_element_type3A = arith.extui %eq3A_2 : i1 to i32
    %cond3A = arith.constant 0 : i32
    %cond3A_3 = arith.cmpi ne, %convert_element_type3A, %cond3A : i32
    scf.if %cond3A_3 {
      %get3A_4 = arith.constant 0 : index
      %get3A_5 = arith.constant 0 : index
      %get3A_6 = vector.load %arg3[%get3A_4, %get3A_5] : memref<128x384xi32, #tpu.memory_space<vmem>>, vector<128x384xi32>
      %convert_element_type3A_7 = arith.trunci %get3A_6 : vector<128x384xi32> to vector<128x384xi16>
      %bitcast_convert_type3A = tpu.bitcast %convert_element_type3A_7 : vector<128x384xi16> -> vector<128x384xbf16>
      %shift_right_logical3A = arith.constant 16 : i32
      %shift_right_logical3A_8 = vector.broadcast %shift_right_logical3A : i32 to vector<128x384xi32>
      %shift_right_logical3A_9 = arith.shrui %get3A_6, %shift_right_logical3A_8 : vector<128x384xi32>
      %convert_element_type3A_10 = arith.trunci %shift_right_logical3A_9 : vector<128x384xi32> to vector<128x384xi16>
      %bitcast_convert_type3A_11 = tpu.bitcast %convert_element_type3A_10 : vector<128x384xi16> -> vector<128x384xbf16>
      %concatenate3A = tpu.concatenate %bitcast_convert_type3A, %bitcast_convert_type3A_11 in 1 : vector<128x384xbf16>, vector<128x384xbf16> -> vector<128x768xbf16>
      %get3A_12 = arith.constant 0 : index
      %get3A_13 = arith.constant 0 : index
      %get3A_14 = arith.constant 0 : index
      %get3A_15 = vector.load %arg4[%get3A_12, %get3A_13, %get3A_14] : memref<1x768x256xf32, #tpu.memory_space<vmem>>, vector<1x768x256xf32>
      %get3A_16 = vector.shape_cast %get3A_15 : vector<1x768x256xf32> to vector<768x256xf32>
      %convert_element_type3A_17 = arith.truncf %get3A_16 : vector<768x256xf32> to vector<768x256xbf16>
      %dot_general3A = arith.constant dense<0.000000e+00> : vector<128x256xf32>
      %dot_general3A_18 = tpu.matmul %concatenate3A, %convert_element_type3A_17, %dot_general3A {dimension_numbers = #tpu.dot_dimension_numbers<[1], [0], [0], [1], [0, 0, 1, 1], [], []>, transpose_lhs_hint = false} : vector<128x768xbf16>, vector<768x256xbf16>, vector<128x256xf32> -> vector<128x256xf32>
      %get3A_19 = arith.constant 0 : index
      %get3A_20 = arith.constant 0 : index
      %get3A_21 = arith.constant 0 : index
      %get3A_22 = vector.load %arg5[%get3A_19, %get3A_20, %get3A_21] : memref<1x768x256xf32, #tpu.memory_space<vmem>>, vector<1x768x256xf32>
      %get3A_23 = vector.shape_cast %get3A_22 : vector<1x768x256xf32> to vector<768x256xf32>
      %convert_element_type3A_24 = arith.truncf %get3A_23 : vector<768x256xf32> to vector<768x256xbf16>
      %dot_general3A_25 = arith.constant dense<0.000000e+00> : vector<128x256xf32>
      %dot_general3A_26 = tpu.matmul %concatenate3A, %convert_element_type3A_24, %dot_general3A_25 {dimension_numbers = #tpu.dot_dimension_numbers<[1], [0], [0], [1], [0, 0, 1, 1], [], []>, transpose_lhs_hint = false} : vector<128x768xbf16>, vector<768x256xbf16>, vector<128x256xf32> -> vector<128x256xf32>
      %logistic3A = arith.negf %dot_general3A_18 : vector<128x256xf32>
      %logistic3A_27 = math.exp %logistic3A : vector<128x256xf32>
      %logistic3A_28 = arith.constant 1.000000e+00 : f32
      %logistic3A_29 = vector.broadcast %logistic3A_28 : f32 to vector<128x256xf32>
      %logistic3A_30 = arith.addf %logistic3A_29, %logistic3A_27 : vector<128x256xf32>
      %logistic3A_31 = arith.divf %logistic3A_29, %logistic3A_30 : vector<128x256xf32>
      %mul3A = arith.mulf %logistic3A_31, %dot_general3A_26 : vector<128x256xf32>
      %convert_element_type3A_32 = arith.truncf %mul3A : vector<128x256xf32> to vector<128x256xbf16>
      %get3A_33 = arith.constant 0 : index
      %get3A_34 = arith.constant 0 : index
      %get3A_35 = arith.constant 0 : index
      %get3A_36 = vector.load %arg6[%get3A_33, %get3A_34, %get3A_35] : memref<1x256x768xf32, #tpu.memory_space<vmem>>, vector<1x256x768xf32>
      %get3A_37 = vector.shape_cast %get3A_36 : vector<1x256x768xf32> to vector<256x768xf32>
      %convert_element_type3A_38 = arith.truncf %get3A_37 : vector<256x768xf32> to vector<256x768xbf16>
      %dot_general3A_39 = arith.constant dense<0.000000e+00> : vector<128x768xf32>
      %dot_general3A_40 = tpu.matmul %convert_element_type3A_32, %convert_element_type3A_38, %dot_general3A_39 {dimension_numbers = #tpu.dot_dimension_numbers<[1], [0], [0], [1], [0, 0, 1, 1], [], []>, transpose_lhs_hint = false} : vector<128x256xbf16>, vector<256x768xbf16>, vector<128x768xf32> -> vector<128x768xf32>
      %convert_element_type3A_41 = arith.truncf %dot_general3A_40 : vector<128x768xf32> to vector<128x768xbf16>
      %slice3A = vector.extract_strided_slice %convert_element_type3A_41 {offsets = [0, 0], sizes = [128, 384], strides = [1, 1]} : vector<128x768xbf16> to vector<128x384xbf16>
      %bitcast_convert_type3A_42 = tpu.bitcast %slice3A : vector<128x384xbf16> -> vector<128x384xi16>
      %convert_element_type3A_43 = arith.extsi %bitcast_convert_type3A_42 : vector<128x384xi16> to vector<128x384xi32>
      %slice3A_44 = vector.extract_strided_slice %convert_element_type3A_41 {offsets = [0, 384], sizes = [128, 384], strides = [1, 1]} : vector<128x768xbf16> to vector<128x384xbf16>
      %bitcast_convert_type3A_45 = tpu.bitcast %slice3A_44 : vector<128x384xbf16> -> vector<128x384xi16>
      %convert_element_type3A_46 = arith.extsi %bitcast_convert_type3A_45 : vector<128x384xi16> to vector<128x384xi32>
      %and3A = arith.constant 65535 : i32
      %and3A_47 = vector.broadcast %and3A : i32 to vector<128x384xi32>
      %and3A_48 = arith.andi %convert_element_type3A_43, %and3A_47 : vector<128x384xi32>
      %shift_left3A = arith.constant 16 : i32
      %shift_left3A_49 = vector.broadcast %shift_left3A : i32 to vector<128x384xi32>
      %shift_left3A_50 = arith.shli %convert_element_type3A_46, %shift_left3A_49 : vector<128x384xi32>
      %or3A = arith.ori %and3A_48, %shift_left3A_50 : vector<128x384xi32>
      %swap3A = arith.constant 0 : index
      %swap3A_51 = arith.constant 0 : index
      %swap3A_52 = vector.load %arg7[%swap3A, %swap3A_51] : memref<128x384xi32, #tpu.memory_space<vmem>>, vector<128x384xi32>
      tpu.vector_store %arg7[%swap3A, %swap3A_51], %or3A {strides = array<i32>} : memref<128x384xi32, #tpu.memory_space<vmem>>, vector<128x384xi32>,
    } else {
    }
    return
  }
  func.func @transform_0(%arg0: i32, %arg1: memref<1x128xi32, #tpu.memory_space<smem>>, %arg2: memref<1x128xi32, #tpu.memory_space<smem>>) -> (i32, i32) {
    %get3A = arith.constant 0 : index
    %get3A_0 = arith.index_cast %arg0 : i32 to index
    %get3A_1 = memref.load %arg2[%get3A, %get3A_0] : memref<1x128xi32, #tpu.memory_space<smem>>
    %mul3A = arith.muli %arg0, %get3A_1 : i32
    %c0_i32 = arith.constant 0 : i32
    %c0_i32_2 = arith.constant 0 : i32
    return %mul3A, %c0_i32 : i32, i32
  }
  func.func @transform_1(%arg0: i32, %arg1: memref<1x128xi32, #tpu.memory_space<smem>>, %arg2: memref<1x128xi32, #tpu.memory_space<smem>>) -> (i32, i32, i32) {
    %get3A = arith.constant 0 : index
    %get3A_0 = arith.index_cast %arg0 : i32 to index
    %get3A_1 = memref.load %arg1[%get3A, %get3A_0] : memref<1x128xi32, #tpu.memory_space<smem>>
    %c0_i32 = arith.constant 0 : i32
    %c0_i32_2 = arith.constant 0 : i32
    %c0_i32_3 = arith.constant 0 : i32
    return %get3A_1, %c0_i32, %c0_i32_2 : i32, i32, i32
  }
  func.func @transform_2(%arg0: i32, %arg1: memref<1x128xi32, #tpu.memory_space<smem>>, %arg2: memref<1x128xi32, #tpu.memory_space<smem>>) -> (i32, i32, i32) {
    %get3A = arith.constant 0 : index
    %get3A_0 = arith.index_cast %arg0 : i32 to index
    %get3A_1 = memref.load %arg1[%get3A, %get3A_0] : memref<1x128xi32, #tpu.memory_space<smem>>
    %c0_i32 = arith.constant 0 : i32
    %c0_i32_2 = arith.constant 0 : i32
    %c0_i32_3 = arith.constant 0 : i32
    return %get3A_1, %c0_i32, %c0_i32_2 : i32, i32, i32
  }
  func.func @transform_3(%arg0: i32, %arg1: memref<1x128xi32, #tpu.memory_space<smem>>, %arg2: memref<1x128xi32, #tpu.memory_space<smem>>) -> (i32, i32, i32) {
    %get3A = arith.constant 0 : index
    %get3A_0 = arith.index_cast %arg0 : i32 to index
    %get3A_1 = memref.load %arg1[%get3A, %get3A_0] : memref<1x128xi32, #tpu.memory_space<smem>>
    %c0_i32 = arith.constant 0 : i32
    %c0_i32_2 = arith.constant 0 : i32
    %c0_i32_3 = arith.constant 0 : i32
    return %get3A_1, %c0_i32, %c0_i32_2 : i32, i32, i32
  }
  func.func @transform_4(%arg0: i32, %arg1: memref<1x128xi32, #tpu.memory_space<smem>>, %arg2: memref<1x128xi32, #tpu.memory_space<smem>>) -> (i32, i32) {
    %get3A = arith.constant 0 : index
    %get3A_0 = arith.index_cast %arg0 : i32 to index
    %get3A_1 = memref.load %arg2[%get3A, %get3A_0] : memref<1x128xi32, #tpu.memory_space<smem>>
    %mul3A = arith.muli %arg0, %get3A_1 : i32
    %get3A_2 = arith.constant 0 : index
    %get3A_3 = arith.index_cast %arg0 : i32 to index
    %get3A_4 = memref.load %arg2[%get3A_2, %get3A_3] : memref<1x128xi32, #tpu.memory_space<smem>>
    %sub3A = arith.constant 1 : i32
    %sub3A_5 = arith.subi %sub3A, %get3A_4 : i32
    %mul3A_6 = arith.constant 96 : i32
    %mul3A_7 = arith.muli %sub3A_5, %mul3A_6 : i32
    %add3A = arith.addi %mul3A, %mul3A_7 : i32
    %c0_i32 = arith.constant 0 : i32
    %c0_i32_8 = arith.constant 0 : i32
    return %add3A, %c0_i32 : i32, i32
  }
}

module attributes {stable_mosaic.version = 14 : i64} {
  func.func @_combine_body(%arg0: i32, %arg1: memref<256x384xi32, #tpu.memory_space<vmem>>, %arg2: memref<256x384xi32, #tpu.memory_space<vmem>>, %arg3: memref<256x384xi32, #tpu.memory_space<vmem>>, %arg4: memref<2x1x256xf32, #tpu.memory_space<vmem>>, %arg5: memref<256x768xf32, #tpu.memory_space<vmem>>) attributes {dimension_semantics = [#tpu.dimension_semantics<arbitrary>], iteration_bounds = array<i64: 8>, scalar_prefetch = 0 : i64, scratch_operands = 0 : i64, tpu.core_type = #tpu.core_type<tc>, window_params = [{transform_indices = @transform_0, window_bounds = array<i64: 256, 384>}, {transform_indices = @transform_1, window_bounds = array<i64: 256, 384>}, {transform_indices = @transform_2, window_bounds = array<i64: 256, 384>}, {transform_indices = @transform_3, window_bounds = array<i64: 2, 1, 256>}, {transform_indices = @transform_4, window_bounds = array<i64: 256, 768>}]} {
    %get3A = arith.constant 0 : index
    %get3A_0 = arith.constant 0 : index
    %get3A_1 = arith.constant 0 : index
    %get3A_2 = vector.load %arg4[%get3A, %get3A_0, %get3A_1] : memref<2x1x256xf32, #tpu.memory_space<vmem>>, vector<1x1x256xf32>
    %get3A_3 = vector.shape_cast %get3A_2 : vector<1x1x256xf32> to vector<256xf32>
    %broadcast_in_dim3A = vector.shape_cast %get3A_3 : vector<256xf32> to vector<256x1xf32>
    %get3A_4 = arith.constant 1 : index
    %get3A_5 = arith.constant 0 : index
    %get3A_6 = arith.constant 0 : index
    %get3A_7 = vector.load %arg4[%get3A_4, %get3A_5, %get3A_6] : memref<2x1x256xf32, #tpu.memory_space<vmem>>, vector<1x1x256xf32>
    %get3A_8 = vector.shape_cast %get3A_7 : vector<1x1x256xf32> to vector<256xf32>
    %broadcast_in_dim3A_9 = vector.shape_cast %get3A_8 : vector<256xf32> to vector<256x1xf32>
    %get3A_10 = arith.constant 0 : index
    %get3A_11 = arith.constant 0 : index
    %get3A_12 = vector.load %arg2[%get3A_10, %get3A_11] : memref<256x384xi32, #tpu.memory_space<vmem>>, vector<256x384xi32>
    %convert_element_type3A = arith.trunci %get3A_12 : vector<256x384xi32> to vector<256x384xi16>
    %bitcast_convert_type3A = tpu.bitcast %convert_element_type3A : vector<256x384xi16> -> vector<256x384xbf16>
    %shift_right_logical3A = arith.constant 16 : i32
    %shift_right_logical3A_13 = vector.broadcast %shift_right_logical3A : i32 to vector<256x384xi32>
    %shift_right_logical3A_14 = arith.shrui %get3A_12, %shift_right_logical3A_13 : vector<256x384xi32>
    %convert_element_type3A_15 = arith.trunci %shift_right_logical3A_14 : vector<256x384xi32> to vector<256x384xi16>
    %bitcast_convert_type3A_16 = tpu.bitcast %convert_element_type3A_15 : vector<256x384xi16> -> vector<256x384xbf16>
    %concatenate3A = tpu.concatenate %bitcast_convert_type3A, %bitcast_convert_type3A_16 in 1 : vector<256x384xbf16>, vector<256x384xbf16> -> vector<256x768xbf16>
    %convert_element_type3A_17 = arith.extf %concatenate3A : vector<256x768xbf16> to vector<256x768xf32>
    %get3A_18 = arith.constant 0 : index
    %get3A_19 = arith.constant 0 : index
    %get3A_20 = vector.load %arg3[%get3A_18, %get3A_19] : memref<256x384xi32, #tpu.memory_space<vmem>>, vector<256x384xi32>
    %convert_element_type3A_21 = arith.trunci %get3A_20 : vector<256x384xi32> to vector<256x384xi16>
    %bitcast_convert_type3A_22 = tpu.bitcast %convert_element_type3A_21 : vector<256x384xi16> -> vector<256x384xbf16>
    %shift_right_logical3A_23 = arith.constant 16 : i32
    %shift_right_logical3A_24 = vector.broadcast %shift_right_logical3A_23 : i32 to vector<256x384xi32>
    %shift_right_logical3A_25 = arith.shrui %get3A_20, %shift_right_logical3A_24 : vector<256x384xi32>
    %convert_element_type3A_26 = arith.trunci %shift_right_logical3A_25 : vector<256x384xi32> to vector<256x384xi16>
    %bitcast_convert_type3A_27 = tpu.bitcast %convert_element_type3A_26 : vector<256x384xi16> -> vector<256x384xbf16>
    %concatenate3A_28 = tpu.concatenate %bitcast_convert_type3A_22, %bitcast_convert_type3A_27 in 1 : vector<256x384xbf16>, vector<256x384xbf16> -> vector<256x768xbf16>
    %convert_element_type3A_29 = arith.extf %concatenate3A_28 : vector<256x768xbf16> to vector<256x768xf32>
    %get3A_30 = arith.constant 0 : index
    %get3A_31 = arith.constant 0 : index
    %get3A_32 = vector.load %arg1[%get3A_30, %get3A_31] : memref<256x384xi32, #tpu.memory_space<vmem>>, vector<256x384xi32>
    %convert_element_type3A_33 = arith.trunci %get3A_32 : vector<256x384xi32> to vector<256x384xi16>
    %bitcast_convert_type3A_34 = tpu.bitcast %convert_element_type3A_33 : vector<256x384xi16> -> vector<256x384xbf16>
    %shift_right_logical3A_35 = arith.constant 16 : i32
    %shift_right_logical3A_36 = vector.broadcast %shift_right_logical3A_35 : i32 to vector<256x384xi32>
    %shift_right_logical3A_37 = arith.shrui %get3A_32, %shift_right_logical3A_36 : vector<256x384xi32>
    %convert_element_type3A_38 = arith.trunci %shift_right_logical3A_37 : vector<256x384xi32> to vector<256x384xi16>
    %bitcast_convert_type3A_39 = tpu.bitcast %convert_element_type3A_38 : vector<256x384xi16> -> vector<256x384xbf16>
    %concatenate3A_40 = tpu.concatenate %bitcast_convert_type3A_34, %bitcast_convert_type3A_39 in 1 : vector<256x384xbf16>, vector<256x384xbf16> -> vector<256x768xbf16>
    %convert_element_type3A_41 = arith.extf %concatenate3A_40 : vector<256x768xbf16> to vector<256x768xf32>
    %mul3A = vector.broadcast %broadcast_in_dim3A : vector<256x1xf32> to vector<256x768xf32>
    %mul3A_42 = arith.mulf %mul3A, %convert_element_type3A_17 : vector<256x768xf32>
    %add3A = arith.addf %convert_element_type3A_41, %mul3A_42 : vector<256x768xf32>
    %mul3A_43 = vector.broadcast %broadcast_in_dim3A_9 : vector<256x1xf32> to vector<256x768xf32>
    %mul3A_44 = arith.mulf %mul3A_43, %convert_element_type3A_29 : vector<256x768xf32>
    %add3A_45 = arith.addf %add3A, %mul3A_44 : vector<256x768xf32>
    %swap3A = arith.constant 0 : index
    %swap3A_46 = arith.constant 0 : index
    %swap3A_47 = vector.load %arg5[%swap3A, %swap3A_46] : memref<256x768xf32, #tpu.memory_space<vmem>>, vector<256x768xf32>
    tpu.vector_store %arg5[%swap3A, %swap3A_46], %add3A_45 {strides = array<i32>} : memref<256x768xf32, #tpu.memory_space<vmem>>, vector<256x768xf32>,
    return
  }
  func.func @transform_0(%arg0: i32) -> (i32, i32) {
    %c0_i32 = arith.constant 0 : i32
    %c0_i32_0 = arith.constant 0 : i32
    return %arg0, %c0_i32 : i32, i32
  }
  func.func @transform_1(%arg0: i32) -> (i32, i32) {
    %c0_i32 = arith.constant 0 : i32
    %c0_i32_0 = arith.constant 0 : i32
    return %arg0, %c0_i32 : i32, i32
  }
  func.func @transform_2(%arg0: i32) -> (i32, i32) {
    %add3A = arith.constant 8 : i32
    %add3A_0 = arith.addi %add3A, %arg0 : i32
    %c0_i32 = arith.constant 0 : i32
    %c0_i32_1 = arith.constant 0 : i32
    return %add3A_0, %c0_i32 : i32, i32
  }
  func.func @transform_3(%arg0: i32) -> (i32, i32, i32) {
    %c0_i32 = arith.constant 0 : i32
    %c0_i32_0 = arith.constant 0 : i32
    %c0_i32_1 = arith.constant 0 : i32
    return %c0_i32, %c0_i32_0, %arg0 : i32, i32, i32
  }
  func.func @transform_4(%arg0: i32) -> (i32, i32) {
    %c0_i32 = arith.constant 0 : i32
    %c0_i32_0 = arith.constant 0 : i32
    return %arg0, %c0_i32 : i32, i32
  }
}

</mosaic_0001>

<sc_bundles>
// kernel: kernel.10.cloned.1.call-start
scs
__scs_entry_jumppad:
0x0: {  	(pc) =	sbr.rel $0x88, $3  }
0x1: {  	(tag) =	ssettag $0x0;
	lr =	simm.s32 $0x1  }
0x2: {  	[smem:$0x3F99] =	sst lr;
	_ =	strace $0xD0000000  }
0x3: {  	_ = 	snop  }
0x4: {  	_ = 	snop  }
0x5: {  	_ = 	snop  }
0x6: {  	_ = 	snop  }
0x7: {  	_ = 	snop  }
__scs_overlays_trampoline_lowered:
0x8: {  	[smem:$0x3FA8] =	sst s0  }
0x9: {  	[smem:$0x3FA9] =	sst s1  }
0xa: {  	[smem:$0x3FAA] =	sst s2  }
0xb: {  	[smem:$0x3FAB] =	sst s3  }
0xc: {  	[smem:$0x3FAC] =	sst s4  }
0xd: {  	[smem:$0x3FAD] =	sst s5  }
0xe: {  	[smem:$0x3FAE] =	sst s6  }
0xf: {  	[smem:$0x3FAF] =	sst s7  }
0x10: {  	[smem:$0x3FB0] =	sst s8  }
0x11: {  	[smem:$0x3FB1] =	sst s9;
	s0 =	simm.s32 @!p0 $0x0  }
0x12: {  	s1 =	sld [smem:$0x3F97];
	s0 =	simm.s32 @p0 $0x1  }
0x13: {  	[smem:$0x3FB2] =	sst s0;
	s0 =	simm.s32 @!p1 $0x0  }
0x14: {  	s2 =	sld [smem:$0x3F96];
	s0 =	simm.s32 @p1 $0x1  }
0x15: {  	[smem:$0x3FB3] =	sst s0;
	s0 =	simm.s32 @!p2 $0x0  }
0x16: {  	s3 =	sld [smem:$0x3FDB];
	s0 =	simm.s32 @p2 $0x1  }
0x17: {  	s4 =	simm.s32 $0x1BF5;
	[smem:$0x3FB5] =	sst s0  }
0x18: {  	s0 =	sld [smem:$0x3F98];
	_ =	swait.ge [sflag:s4], $0x0  }
0x19: {  	s7 =	sld [smem:$0x3F99]  }
0x1a: {  	s8 =	sadd.s32 $0xFFFFE003, lr  }
0x1b: {  	s9 =	sadd.s32 $0xFFFFFEF7, lr;
	s5 =	simm.s32 $0xFFFFFFFF;
	p2 =	slt.u32 s8, $0xFFFFF086  }
0x1c: {  	p1 =	slt.u32 s9, $0xF7A;
	s5 =	simm.s32 @!p2 $0x0  }
0x1d: {  	s5 =	simm.s32 @p1 $0x1;
	p0 =	seq.s32 s7, s2  }
0x1e: {  	s7 =	smul.u32 @!p0 $0xF7A, s2;
	p2 =	seq.s32 @!p0 s5, $0x0  }
0x1f: {  	s9 =	smul.u32 $0xF7A, s1;
	s8 =	simm.s32 @!p0 $0x1BF5;
	p2 =	por !p2, p0  }
0x20: {  	[sflag:s8] =	ssyncset.s32 @!p0 $0xFFFFF086;
	s6 =	sadd.s32 @!p0 s3, s7;
	s7 =	simm.s32 @!p0 $0x108  }
0x21: {  	s3 =	sadd.s32 s3, s9;
	s6 =	sadd.s32 @!p0 $0x88, s6;
	s7 =	simm.s32 @p2 $0x1082  }
0x22: {  	[simem:s7], [sflag:s8] =	dma.local @!p0 [hbm:s6], $0xF7A  }
0x23: {  	s9 =	sor.u32 $0xD0000000, s2;
	s6 =	simm.s32 $0x108;
	_ =	swait.ge @!p0 [sflag:s8], $0x0  }
0x24: {  	s3 =	sadd.s32 $0x88, s3;
	s6 =	simm.s32 @!p1 $0x1082;
	[sflag:s4] =	ssyncset.s32 $0xFFFFF086  }
0x25: {  	[simem:s6], [sflag:s4] =	dma.local [hbm:s3], $0xF7A  }
0x26: {  	[smem:$0x3F99] =	sst s1;
	(tag) =	ssettag s2;
	_ =	strace s9  }
0x27: {  	s1 =	sld [smem:$0x3FA9]  }
0x28: {  	s2 =	sld [smem:$0x3FAA]  }
0x29: {  	s4 =	sld [smem:$0x3FAC]  }
0x2a: {  	p0 =	seq.s32 s5, $0x0;
	s5 =	sld [smem:$0x3FAD]  }
0x2b: {  	s6 =	sld [smem:$0x3FAE]  }
0x2c: {  	s7 =	sld [smem:$0x3FAF]  }
0x2d: {  	s3 =	simm.s32 $0x108;
	s8 =	sld [smem:$0x3FB0]  }
0x2e: {  	s3 =	simm.s32 @!p0 $0x1082;
	s9 =	sld [smem:$0x3FB1]  }
0x2f: {  	lr =	sadd.s32 s0, s3;
	s0 =	sld [smem:$0x3FA8]  }
0x30: {  	s3 =	sld [smem:$0x3FAB]  }
0x31: {  	[smem:$0x3FB4] =	sst s10  }
0x32: {  	s10 =	sld [smem:$0x3FB2];
	_ =	sdelay $0x3  }
0x33: {  	p0 =	seq.s32 s10, $0x1;
	s10 =	sld [smem:$0x3FB4];
	_ =	sdelay $0x3  }
0x34: {  	[smem:$0x3FB4] =	sst s10  }
0x35: {  	s10 =	sld [smem:$0x3FB3];
	_ =	sdelay $0x3  }
0x36: {  	p1 =	seq.s32 s10, $0x1;
	s10 =	sld [smem:$0x3FB4];
	_ =	sdelay $0x3  }
0x37: {  	[smem:$0x3FB4] =	sst s10  }
0x38: {  	s10 =	sld [smem:$0x3FB5]  }
0x39: {  	_ = 	snop;
	(pc) =	sbr.ind lr, $3  }
0x3a: {  	_ = 	snop  }
0x3b: {  	_ = 	snop  }
0x3c: {  	p2 =	seq.s32 s10, $0x1;
	s10 =	sld [smem:$0x3FB4]  }
0x3d: {  	_ =	shalt  }
0x3e: {  	_ =	shalt  }
0x3f: {  	_ =	shalt  }
0x40: {  	_ =	shalt  }
0x41: {  	_ =	shalt  }
0x42: {  	_ =	shalt  }
0x43: {  	_ =	shalt  }
0x44: {  	_ =	shalt  }
0x45: {  	_ =	shalt  }
0x46: {  	_ =	shalt  }
0x47: {  	_ =	shalt  }
0x48: {  	_ =	shalt  }
0x49: {  	_ =	shalt  }
0x4a: {  	_ =	shalt  }
0x4b: {  	_ =	shalt  }
0x4c: {  	_ =	shalt  }
0x4d: {  	_ =	shalt  }
0x4e: {  	_ =	shalt  }
0x4f: {  	_ =	shalt  }
0x50: {  	_ =	shalt  }
0x51: {  	_ =	shalt  }
0x52: {  	_ =	shalt  }
0x53: {  	_ =	shalt  }
0x54: {  	_ =	shalt  }
0x55: {  	_ =	shalt  }
0x56: {  	_ =	shalt  }
0x57: {  	_ =	shalt  }
0x58: {  	_ =	shalt  }
0x59: {  	_ =	shalt  }
0x5a: {  	_ =	shalt  }
0x5b: {  	_ =	shalt  }
0x5c: {  	_ =	shalt  }
0x5d: {  	_ =	shalt  }
0x5e: {  	_ =	shalt  }
0x5f: {  	_ =	shalt  }
0x60: {  	_ =	shalt  }
0x61: {  	_ =	shalt  }
0x62: {  	_ =	shalt  }
0x63: {  	_ =	shalt  }
0x64: {  	_ =	shalt  }
0x65: {  	_ =	shalt  }
0x66: {  	_ =	shalt  }
0x67: {  	_ =	shalt  }
0x68: {  	_ =	shalt  }
0x69: {  	_ =	shalt  }
0x6a: {  	_ =	shalt  }
0x6b: {  	_ =	shalt  }
0x6c: {  	_ =	shalt  }
0x6d: {  	_ =	shalt  }
0x6e: {  	_ =	shalt  }
0x6f: {  	_ =	shalt  }
0x70: {  	_ =	shalt  }
0x71: {  	_ =	shalt  }
0x72: {  	_ =	shalt  }
0x73: {  	_ =	shalt  }
0x74: {  	_ =	shalt  }
0x75: {  	_ =	shalt  }
0x76: {  	_ =	shalt  }
0x77: {  	_ =	shalt  }
0x78: {  	_ =	shalt  }
0x79: {  	_ =	shalt  }
0x7a: {  	_ =	shalt  }
0x7b: {  	_ =	shalt  }
0x7c: {  	_ =	shalt  }
0x7d: {  	_ =	shalt  }
0x7e: {  	_ =	shalt  }
0x7f: {  	_ =	shalt  }
0x80: {  	_ =	shalt  }
0x81: {  	_ =	shalt  }
0x82: {  	_ =	shalt  }
0x83: {  	_ =	shalt  }
0x84: {  	_ =	shalt  }
0x85: {  	_ =	shalt  }
0x86: {  	_ =	shalt  }
0x87: {  	_ =	shalt  }
.Lfunc_end0:
.L_simem_size_0:
called_computation.1_lowered:
.L_overlay_start_0:
0x88: {  	s2 =	sld [smem:$0x3FD9]  }
0x89: {  	s3 =	sld [smem:$0x3FFE];
	_ =	sdelay $0x1  }
0x8a: {  	s1 =	srdreg.scid  }
0x8b: {  	s0 =	sand.u32 $0x1, s1  }
0x8c: {  	s17 =	sshll.u32 s0, $0xA;
	s2 =	sadd.s32 s3, s2  }
0x8d: {  	s2 =	sadd.s32 s2, s17  }
0x8e: {  	[smem:$0x3FC0] =	sst s2  }
0x8f: {  	_ = 	snop  }
0x90: {  	s2 =	sld [smem:$0x3FD0];
	(tm) =	ssettm $0x1  }
0x91: {  	s18 =	sld [smem:$0x3FFB];
	_ =	sdelay $0x3  }
0x92: {  	_ =	strace s18  }
0x93: {  	s3 =	sld [smem:$0x3FFC];
	_ =	sdelay $0x3  }
0x94: {  	_ =	strace s3  }
0x95: {  	s3 =	sld [smem:$0x3FFD];
	_ =	sdelay $0x3  }
0x96: {  	_ =	strace s3  }
0x97: {  	_ =	strace $0x8FFFFFFF  }
0x98: {  	s19 =	sld [smem:$0x3FDB];
	_ =	sdelay $0x1  }
0x99: {  	s4 =	simm.s32 $_scs_section_size  }
0x9a: {  	s5 =	simm.s32 $_size__tile_overlayer_lowered;
	s6 =	simm.s32 $_tile_overlayer_lowered  }
0x9b: {  	s22 =	simm.s32 $0x1BFF;
	s21 =	sshll.u32 s6, $0x1;
	s3 =	sadd.s32 s4, s19  }
0x9c: {  	s7 =	simm.s32 $0x0;
	s20 =	sshll.u32 s5, $0x1;
	s5 =	sadd.s32 s21, s3  }
0x9d: {  	[timem:s7], [sflag:s22] =	dma.local [hbm:s5], s20  }
0x9e: {  	_ =	swait.ge [sflag:s22], s20  }
0x9f: {  	s4 =	ssub.s32 $0x0, s20;
	[sflag:s22] =	ssyncset.done $0x0  }
0xa0: {  	[sflag:s22] =	ssyncadd.s32 s4;
	_ =	sdelay $0x1  }
0xa1: {  	s23 =	simm.s32 $0x1B8B  }
0xa2: {  	_ =	swait.ge [sflag:s23], $0x1  }
0xa3: {  	[sflag:s23] =	ssyncset.done $0x0  }
0xa4: {  	s25 =	simm.s32 $0x1B8E;
	s24 =	sld [smem:$0x3FFE];
	[sflag:s23] =	ssyncadd.s32 $0xFFFFFFFF  }
0xa5: {  	s26 =	simm.s32 $execute0_lowered;
	[smem:$0x3FD2] =	sst s25  }
0xa6: {  	s5 =	sshll.u32 s26, $0x1;
	_ =	strace $0x80000049;
	[dreg:$0x1] =	wrdreg $0xFFFFFFFF  }
0xa7: {  	s28 =	simm.s32 $_size_execute0_lowered;
	s3 =	sadd.s32 s3, s5;
	[dreg:$0x0] =	wrdreg $0x0  }
0xa8: {  	s5 =	sshll.u32 s28, $0x1;
	[dreg:$0x2] =	wrdreg s3  }
0xa9: {  	[dreg:$0x3] =	wrdreg s5  }
0xaa: {  	[dreg:$0x4] =	wrdreg $0xC0  }
0xab: {  	_ =	task [dreg:s7], $0x5FFFF  }
0xac: {  	[dreg:$0x1] =	wrdreg $0xFFFFFFFF  }
0xad: {  	[dreg:$0x0] =	wrdreg $0x60  }
0xae: {  	[dreg:$0x2] =	wrdreg s24  }
0xaf: {  	[dreg:$0x3] =	wrdreg s2  }
0xb0: {  	[dreg:$0x4] =	wrdreg $0x9  }
0xb1: {  	_ =	task.clear_ibuf [dreg:s7], $0x5FFFF;
	_ =	strace $0x90000049  }
0xb2: {  	s29 =	simm.s32 $0x9;
	_ =	strace $0x8000004B  }
0xb3: {  	_ =	swait.ge [sflag:s29], $0x1  }
0xb4: {  	[sflag:s29] =	ssyncadd.s32 $0xFFFFFFFF  }
0xb5: {  	_ =	strace $0x9000004B  }
0xb6: {  	_ =	sfence  }
0xb7: {  	s30 =	sld [smem:$0x0];
	_ =	sdelay $0x2  }
0xb8: {  	s31 =	sshll.u32 s1, $0xD;
	s1 =	sshrl.u32 s1, $0x2  }
0xb9: {  	s3 =	sand.u32 $0x4000, s31;
	s1 =	sadd.s32 s1, s30  }
0xba: {  	s0 =	sor.u32 s3, s0;
	s1 =	sshll.u32 s1, $0x11  }
0xbb: {  	s0 =	sor.u32 s1, s0  }
0xbc: {  	s0 =	sadd.s32 $0x8F2B, s0  }
0xbd: {  	[sflag:s0] =	ssyncadd.remote.s32 $0x1  }
0xbe: {  	_ =	sfence.sel $0xFFFF  }
0xbf: {  	[dreg:$0x0] =	wrdreg $0xFFFFFFFF;
	(pc) =	sbr.abs _section_cstart, $3  }
0xc0: {  	[dreg:$0x1] =	wrdreg $0xFFFFFFFF  }
0xc1: {  	_ =	task.clear_ibuf [dreg:s7], $0x2FFFF;
	_ =	strace $0x9FFFFFFF  }
0xc2: {  	(tm) =	ssettm $0x7FFFFFFF  }
0xc3: {  	_ =	shalt  }
tec
execute0_lowered:
.L_overlay_start_1:
0x0: {  	(tag) =	ssettag $0x1  }
0x1: {  	s1 =	srdreg.scid  }
0x2: {  	s0 =	stileid.u32;
	s4 =	rddreg [dreg:$0x0]  }
0x3: {  	s3 =	rddreg [dreg:$0x1];
	s16 =	simm.s32 $0x80;
	s17 =	simm.s32 $0x900  }
0x4: {  	s18 =	simm.s32 $0xD00;
	s19 =	simm.s32 $0x1500;
	s20 =	simm.s32 $0x1900  }
0x5: {  	s21 =	simm.s32 $0x2100;
	s1 =	sand.u32 $0x1, s1;
	s2 =	sshll.u32 s0, $0x1  }
0x6: {  	s23 =	simm.s32 $0x2500;
	s5 =	sor.u32 s1, s2;
	s2 =	simm.s32 $0x0  }
0x7: {  	s24 =	simm.s32 $0x2D00;
	s25 =	simm.s32 $0x3100;
	[smem:$0x7FF] =	sst s2  }
0x8: {  	s26 =	simm.s32 $0x3900;
	_ =	strace $0x8000004A;
	[dreg:$0x7] =	wrdreg s16  }
0x9: {  	s9 =	simm.s32 $0x4500;
	s10 =	simm.s32 $0x4900;
	[dreg:$0x8] =	wrdreg s17  }
0xa: {  	s11 =	simm.s32 $0x5100;
	s12 =	simm.s32 $0x5500;
	[dreg:$0x9] =	wrdreg s18  }
0xb: {  	s13 =	simm.s32 $0x5D00;
	s14 =	simm.s32 $0x6100;
	[dreg:$0xa] =	wrdreg s19  }
0xc: {  	s15 =	simm.s32 $0x6900;
	s28 =	simm.s32 $0xB100;
	[dreg:$0xb] =	wrdreg s20  }
0xd: {  	s29 =	simm.s32 $0xB500;
	s30 =	simm.s32 $0xBD00;
	[dreg:$0xc] =	wrdreg s21  }
0xe: {  	s31 =	simm.s32 $0x1;
	s1 =	ssub.s32 $0x2, s1;
	[dreg:$0xd] =	wrdreg s23  }
0xf: {  	s6 =	sshll.u32 s5, $0x4;
	s7 =	smul.u32 $0xC000, s5;
	[dreg:$0xe] =	wrdreg s24  }
0x10: {  	s5 =	smul.u32 $0x1800, s5;
	s22 =	sshrl.u32 s1, $0x1;
	[dreg:$0xf] =	wrdreg s25  }
0x11: {  	s6 =	sadd.s32 s6, s4;
	s1 =	ssub.s32 s1, s22;
	[dreg:$0x10] =	wrdreg s26  }
0x12: {  	s16 =	simm.s32 $0x6D00;
	s17 =	simm.s32 $0x7500;
	s18 =	simm.s32 $0x7900  }
0x13: {  	s19 =	simm.s32 $0x8100;
	s20 =	simm.s32 $0x8500;
	s21 =	simm.s32 $0x8D00  }
0x14: {  	s22 =	simm.s32 $0x9100;
	s23 =	simm.s32 $0x9900;
	s24 =	simm.s32 $0x9D00  }
0x15: {  	s25 =	simm.s32 $0xA500;
	s26 =	simm.s32 $0xA900;
	s8 =	sadd.s32 $0x1A00, s6  }
0x16: {  	s6 =	sadd.s32 $0x1A08, s6;
	s7 =	sshrl.u32 s7, $0x3;
	[dreg:$0x3] =	wrdreg s8  }
0x17: {  	s5 =	sadd.s32 s3, s5;
	[dreg:$0x4] =	wrdreg s6;
	s3 =	sadd.s32 s3, s7  }
0x18: {  	v2 =	vlaneseq.u32;
	[dreg:$0x5] =	wrdreg s5;
	s5 =	smax.u32 s1, $0x1;
	s6 =	simm.s32 $0x3  }
0x19: {  	vm0 =	vmmov $0xffff;
	vm1 =	vmmov $0xff;
	v1 =	vshrl.u32 v2, $0x3;
	s7 =	simm.s32 $0x100;
	s1 =	simm.s32 $0x2;
	s3 =	sadd.s32 $0xC00, s3  }
0x1a: {  	v0 =	vand.u32 $0x7, v2;
	v2 =	vor.u32 $0x8, v2;
	v1 =	vmul.u32 $0x8, v1;
	[dreg:$0x6] =	wrdreg s3;
	s3 =	sadd.s32 $0x1C00, s4;
	s4 =	sadd.s32 $0x1D00, s4  }
.LBB2_1:
0x1b: {  	s0 =	rddreg [dreg:$0x3]  }
0x1c: {  	[tilespmem:s2], [sflag:$0x3] =	stream.linear.gather [hbm4b:s0+s2], $0x40, $0x38;
	[tilespmem:$0xC100] =	vst v63  }
0x1d: {  	_ =	swait.ge [sflag:s6], $0x40  }
0x1e: {  	s0 =	rddreg [dreg:$0x4];
	[sflag:s6] =	ssyncset.done $0x0  }
0x1f: {  	s8 =	rddreg [dreg:$0x7];
	[sflag:s6] =	ssyncadd.s32 $0xFFFFFFC0  }
0x20: {  	[tilespmem:s8], [sflag:$0x3] =	stream.linear.gather [hbm4b:s0+s2], $0x40, $0x38;
	[tilespmem:$0xC100] =	vst v63  }
0x21: {  	_ =	swait.ge [sflag:s6], $0x40  }
0x22: {  	[sflag:s6] =	ssyncset.done $0x0  }
0x23: {  	[sflag:s6] =	ssyncadd.s32 $0xFFFFFFC0  }
0x24: {  	v3 =	vld [tilespmem:$0x0];
	_ =	sdelay $0x4  }
0x25: {  	v4 =	vshrl.u32 v3, $0x3  }
0x26: {  	v4 =	vmul.u32 $0x18, v4  }
0x27: {  	v3 =	vand.u32 $0x7, v3  }
0x28: {  	v3 =	vor.u32 v3, v4  }
0x29: {  	v4 =	vperm.xlane v3, v0;
	_ =	sdelay $0x1  }
0x2a: {  	v4 =	vadd.s32 v1, v4;
	_ =	sdelay $0x1  }
0x2b: {  	v3 =	vperm.xlane v3, v2;
	_ =	sdelay $0x1  }
0x2c: {  	v3 =	vadd.s32 v1, v3  }
0x2d: {  	[tilespmem:s7], [sflag:$0x1] =	stream.indirect_vreg.gather [hbm4b:s3+s2], $0x80, v4, vm0, $0xb8;
	[tilespmem:$0xC100] =	vst v63  }
0x2e: {  	s0 =	rddreg [dreg:$0x8]  }
0x2f: {  	[tilespmem:s0], [sflag:$0x1] =	stream.indirect_vreg.gather [hbm4b:s4+s2], $0x80, v4, vm1, $0xb8;
	[tilespmem:$0xC100] =	vst v63  }
0x30: {  	s8 =	rddreg [dreg:$0x9]  }
0x31: {  	[tilespmem:s8], [sflag:$0x1] =	stream.indirect_vreg.gather [hbm4b:s3+s2], $0x80, v3, vm0, $0xb8;
	[tilespmem:$0xC100] =	vst v63  }
0x32: {  	s0 =	rddreg [dreg:$0xa]  }
0x33: {  	[tilespmem:s0], [sflag:$0x1] =	stream.indirect_vreg.gather [hbm4b:s4+s2], $0x80, v3, vm1, $0xb8;
	[tilespmem:$0xC100] =	vst v63  }
0x34: {  	v3 =	vld [tilespmem:$0x10];
	_ =	sdelay $0x4  }
0x35: {  	v57 =	vshrl.u32 v3, $0x3  }
0x36: {  	v4 =	vmul.u32 $0x18, v57  }
0x37: {  	v3 =	vand.u32 $0x7, v3  }
0x38: {  	v3 =	vor.u32 v3, v4  }
0x39: {  	v4 =	vperm.xlane v3, v0;
	_ =	sdelay $0x1  }
0x3a: {  	v4 =	vadd.s32 v1, v4;
	_ =	sdelay $0x1  }
0x3b: {  	v3 =	vperm.xlane v3, v2;
	_ =	sdelay $0x1  }
0x3c: {  	s0 =	rddreg [dreg:$0xb];
	v3 =	vadd.s32 v1, v3  }
0x3d: {  	[tilespmem:s0], [sflag:$0x1] =	stream.indirect_vreg.gather [hbm4b:s3+s2], $0x80, v4, vm0, $0xb8;
	[tilespmem:$0xC100] =	vst v63  }
0x3e: {  	s8 =	rddreg [dreg:$0xc]  }
0x3f: {  	[tilespmem:s8], [sflag:$0x1] =	stream.indirect_vreg.gather [hbm4b:s4+s2], $0x80, v4, vm1, $0xb8;
	[tilespmem:$0xC100] =	vst v63  }
0x40: {  	s0 =	rddreg [dreg:$0xd]  }
0x41: {  	[tilespmem:s0], [sflag:$0x1] =	stream.indirect_vreg.gather [hbm4b:s3+s2], $0x80, v3, vm0, $0xb8;
	[tilespmem:$0xC100] =	vst v63  }
0x42: {  	s8 =	rddreg [dreg:$0xe]  }
0x43: {  	[tilespmem:s8], [sflag:$0x1] =	stream.indirect_vreg.gather [hbm4b:s4+s2], $0x80, v3, vm1, $0xb8;
	[tilespmem:$0xC100] =	vst v63  }
0x44: {  	v3 =	vld [tilespmem:$0x20];
	_ =	sdelay $0x4  }
0x45: {  	v58 =	vshrl.u32 v3, $0x3  }
0x46: {  	v4 =	vmul.u32 $0x18, v58  }
0x47: {  	v3 =	vand.u32 $0x7, v3  }
0x48: {  	v3 =	vor.u32 v3, v4  }
0x49: {  	v4 =	vperm.xlane v3, v0;
	_ =	sdelay $0x1  }
0x4a: {  	v4 =	vadd.s32 v1, v4;
	_ =	sdelay $0x1  }
0x4b: {  	v3 =	vperm.xlane v3, v2;
	_ =	sdelay $0x1  }
0x4c: {  	s0 =	rddreg [dreg:$0xf];
	v3 =	vadd.s32 v1, v3  }
0x4d: {  	[tilespmem:s0], [sflag:$0x1] =	stream.indirect_vreg.gather [hbm4b:s3+s2], $0x80, v4, vm0, $0xb8;
	[tilespmem:$0xC100] =	vst v63  }
0x4e: {  	s8 =	rddreg [dreg:$0x10]  }
0x4f: {  	[tilespmem:s8], [sflag:$0x1] =	stream.indirect_vreg.gather [hbm4b:s4+s2], $0x80, v4, vm1, $0xb8;
	[tilespmem:$0xC100] =	vst v63  }
0x50: {  	s8 =	simm.s32 $0x3D00  }
0x51: {  	[tilespmem:s8], [sflag:$0x1] =	stream.indirect_vreg.gather [hbm4b:s3+s2], $0x80, v3, vm0, $0xb8;
	[tilespmem:$0xC100] =	vst v63  }
0x52: {  	_ = 	snop  }
0x53: {  	[tilespmem:s9], [sflag:$0x1] =	stream.indirect_vreg.gather [hbm4b:s4+s2], $0x80, v3, vm1, $0xb8;
	[tilespmem:$0xC100] =	vst v63  }
0x54: {  	v3 =	vld [tilespmem:$0x30];
	_ =	sdelay $0x4  }
0x55: {  	v59 =	vshrl.u32 v3, $0x3  }
0x56: {  	v4 =	vmul.u32 $0x18, v59  }
0x57: {  	v3 =	vand.u32 $0x7, v3  }
0x58: {  	v3 =	vor.u32 v3, v4  }
0x59: {  	v4 =	vperm.xlane v3, v0;
	_ =	sdelay $0x1  }
0x5a: {  	v4 =	vadd.s32 v1, v4;
	_ =	sdelay $0x1  }
0x5b: {  	v3 =	vperm.xlane v3, v2;
	_ =	sdelay $0x1  }
0x5c: {  	v3 =	vadd.s32 v1, v3  }
0x5d: {  	[tilespmem:s10], [sflag:$0x1] =	stream.indirect_vreg.gather [hbm4b:s3+s2], $0x80, v4, vm0, $0xb8;
	[tilespmem:$0xC100] =	vst v63  }
0x5e: {  	_ = 	snop  }
0x5f: {  	[tilespmem:s11], [sflag:$0x1] =	stream.indirect_vreg.gather [hbm4b:s4+s2], $0x80, v4, vm1, $0xb8;
	[tilespmem:$0xC100] =	vst v63  }
0x60: {  	_ = 	snop  }
0x61: {  	[tilespmem:s12], [sflag:$0x1] =	stream.indirect_vreg.gather [hbm4b:s3+s2], $0x80, v3, vm0, $0xb8;
	[tilespmem:$0xC100] =	vst v63  }
0x62: {  	_ = 	snop  }
0x63: {  	[tilespmem:s13], [sflag:$0x1] =	stream.indirect_vreg.gather [hbm4b:s4+s2], $0x80, v3, vm1, $0xb8;
	[tilespmem:$0xC100] =	vst v63  }
0x64: {  	v3 =	vld [tilespmem:$0x80];
	_ =	sdelay $0x4  }
0x65: {  	v60 =	vshrl.u32 v3, $0x3  }
0x66: {  	v4 =	vmul.u32 $0x18, v60  }
0x67: {  	v3 =	vand.u32 $0x7, v3  }
0x68: {  	v3 =	vor.u32 v3, v4  }
0x69: {  	v4 =	vperm.xlane v3, v0;
	_ =	sdelay $0x1  }
0x6a: {  	v4 =	vadd.s32 v1, v4;
	_ =	sdelay $0x1  }
0x6b: {  	v3 =	vperm.xlane v3, v2;
	_ =	sdelay $0x1  }
0x6c: {  	v3 =	vadd.s32 v1, v3  }
0x6d: {  	[tilespmem:s14], [sflag:$0x1] =	stream.indirect_vreg.gather [hbm4b:s3+s2], $0x80, v4, vm0, $0xb8;
	[tilespmem:$0xC100] =	vst v63  }
0x6e: {  	_ = 	snop  }
0x6f: {  	[tilespmem:s15], [sflag:$0x1] =	stream.indirect_vreg.gather [hbm4b:s4+s2], $0x80, v4, vm1, $0xb8;
	[tilespmem:$0xC100] =	vst v63  }
0x70: {  	_ = 	snop  }
0x71: {  	[tilespmem:s16], [sflag:$0x1] =	stream.indirect_vreg.gather [hbm4b:s3+s2], $0x80, v3, vm0, $0xb8;
	[tilespmem:$0xC100] =	vst v63  }
0x72: {  	_ = 	snop  }
0x73: {  	[tilespmem:s17], [sflag:$0x1] =	stream.indirect_vreg.gather [hbm4b:s4+s2], $0x80, v3, vm1, $0xb8;
	[tilespmem:$0xC100] =	vst v63  }
0x74: {  	v3 =	vld [tilespmem:$0x90];
	_ =	sdelay $0x4  }
0x75: {  	v61 =	vshrl.u32 v3, $0x3  }
0x76: {  	v4 =	vmul.u32 $0x18, v61  }
0x77: {  	v3 =	vand.u32 $0x7, v3  }
0x78: {  	v3 =	vor.u32 v3, v4  }
0x79: {  	v4 =	vperm.xlane v3, v0;
	_ =	sdelay $0x1  }
0x7a: {  	v4 =	vadd.s32 v1, v4;
	_ =	sdelay $0x1  }
0x7b: {  	v3 =	vperm.xlane v3, v2;
	_ =	sdelay $0x1  }
0x7c: {  	v3 =	vadd.s32 v1, v3  }
0x7d: {  	[tilespmem:s18], [sflag:$0x1] =	stream.indirect_vreg.gather [hbm4b:s3+s2], $0x80, v4, vm0, $0xb8;
	[tilespmem:$0xC100] =	vst v63  }
0x7e: {  	_ = 	snop  }
0x7f: {  	[tilespmem:s19], [sflag:$0x1] =	stream.indirect_vreg.gather [hbm4b:s4+s2], $0x80, v4, vm1, $0xb8;
	[tilespmem:$0xC100] =	vst v63  }
0x80: {  	_ = 	snop  }
0x81: {  	[tilespmem:s20], [sflag:$0x1] =	stream.indirect_vreg.gather [hbm4b:s3+s2], $0x80, v3, vm0, $0xb8;
	[tilespmem:$0xC100] =	vst v63  }
0x82: {  	_ = 	snop  }
0x83: {  	[tilespmem:s21], [sflag:$0x1] =	stream.indirect_vreg.gather [hbm4b:s4+s2], $0x80, v3, vm1, $0xb8;
	[tilespmem:$0xC100] =	vst v63  }
0x84: {  	v3 =	vld [tilespmem:$0xA0];
	_ =	sdelay $0x4  }
0x85: {  	v62 =	vshrl.u32 v3, $0x3  }
0x86: {  	v4 =	vmul.u32 $0x18, v62  }
0x87: {  	v3 =	vand.u32 $0x7, v3  }
0x88: {  	v3 =	vor.u32 v3, v4  }
0x89: {  	v4 =	vperm.xlane v3, v0;
	_ =	sdelay $0x1  }
0x8a: {  	v4 =	vadd.s32 v1, v4;
	_ =	sdelay $0x1  }
0x8b: {  	v3 =	vperm.xlane v3, v2;
	_ =	sdelay $0x1  }
0x8c: {  	v3 =	vadd.s32 v1, v3  }
0x8d: {  	[tilespmem:s22], [sflag:$0x1] =	stream.indirect_vreg.gather [hbm4b:s3+s2], $0x80, v4, vm0, $0xb8;
	[tilespmem:$0xC100] =	vst v63  }
0x8e: {  	_ = 	snop  }
0x8f: {  	[tilespmem:s23], [sflag:$0x1] =	stream.indirect_vreg.gather [hbm4b:s4+s2], $0x80, v4, vm1, $0xb8;
	[tilespmem:$0xC100] =	vst v63  }
0x90: {  	_ = 	snop  }
0x91: {  	[tilespmem:s24], [sflag:$0x1] =	stream.indirect_vreg.gather [hbm4b:s3+s2], $0x80, v3, vm0, $0xb8;
	[tilespmem:$0xC100] =	vst v63  }
0x92: {  	_ = 	snop  }
0x93: {  	[tilespmem:s25], [sflag:$0x1] =	stream.indirect_vreg.gather [hbm4b:s4+s2], $0x80, v3, vm1, $0xb8;
	[tilespmem:$0xC100] =	vst v63  }
0x94: {  	v3 =	vld [tilespmem:$0xB0];
	_ =	sdelay $0x4  }
0x95: {  	v63 =	vshrl.u32 v3, $0x3  }
0x96: {  	v4 =	vmul.u32 $0x18, v63  }
0x97: {  	v3 =	vand.u32 $0x7, v3  }
0x98: {  	v3 =	vor.u32 v3, v4  }
0x99: {  	v4 =	vperm.xlane v3, v0;
	_ =	sdelay $0x1  }
0x9a: {  	v4 =	vadd.s32 v1, v4;
	_ =	sdelay $0x1  }
0x9b: {  	v3 =	vperm.xlane v3, v2;
	_ =	sdelay $0x1  }
0x9c: {  	v3 =	vadd.s32 v1, v3  }
0x9d: {  	[tilespmem:s26], [sflag:$0x1] =	stream.indirect_vreg.gather [hbm4b:s3+s2], $0x80, v4, vm0, $0xb8;
	[tilespmem:$0xC100] =	vst v63  }
0x9e: {  	_ = 	snop  }
0x9f: {  	[tilespmem:s28], [sflag:$0x1] =	stream.indirect_vreg.gather [hbm4b:s4+s2], $0x80, v4, vm1, $0xb8;
	[tilespmem:$0xC100] =	vst v63  }
0xa0: {  	_ = 	snop  }
0xa1: {  	[tilespmem:s29], [sflag:$0x1] =	stream.indirect_vreg.gather [hbm4b:s3+s2], $0x80, v3, vm0, $0xb8;
	[tilespmem:$0xC100] =	vst v63  }
0xa2: {  	_ = 	snop  }
0xa3: {  	[tilespmem:s30], [sflag:$0x1] =	stream.indirect_vreg.gather [hbm4b:s4+s2], $0x80, v3, vm1, $0xb8;
	[tilespmem:$0xC100] =	vst v63  }
0xa4: {  	_ =	swait.ge [sflag:s31], $0x6000  }
0xa5: {  	[sflag:s31] =	ssyncset.done $0x0  }
0xa6: {  	s8 =	rddreg [dreg:$0x5];
	[sflag:s31] =	ssyncadd.s32 $0xFFFFA000  }
0xa7: {  	[hbm4b:s8+s2] =	stream.linear.scatter [tilespmem:s7], [sflag:$0x2], $0x6000, $0x38;
	[tilespmem:$0xC100] =	vst v63  }
0xa8: {  	_ =	swait.ge [sflag:s31], $0x6000  }
0xa9: {  	[sflag:s31] =	ssyncset.done $0x0  }
0xaa: {  	s8 =	rddreg [dreg:$0x6];
	[sflag:s31] =	ssyncadd.s32 $0xFFFFA000  }
0xab: {  	[hbm4b:s8+s2] =	stream.linear.scatter [tilespmem:s14], [sflag:$0x2], $0x6000, $0x38;
	[tilespmem:$0xC100] =	vst v63  }
0xac: {  	p0 =	sne.s32 s5, $0x1;
	_ =	swait.ge [sflag:s1], $0x6000  }
.Ltmp0:
0xad: {  	[sflag:s1] =	ssyncset.done $0x0;
	(pc) =	sbr.rel @p0 .LBB2_1-.Ltmp0, $4  }
0xae: {  	[sflag:s1] =	ssyncadd.s32 $0xFFFFA000  }
0xaf: {  	_ =	swait.ge [sflag:s1], $0x6000  }
0xb0: {  	[sflag:s1] =	ssyncset.done $0x0  }
0xb1: {  	s5 =	sadd.s32 $0xFFFFFFFF, s5;
	[sflag:s1] =	ssyncadd.s32 $0xFFFFA000  }
0xb2: {  	_ =	sfence.sel $0x180000  }
0xb3: {  	[bflag:$0x0] =	sbarrier.arrive $0xFFFF  }
0xb4: {  	_ =	strace $0x9000004A  }
0xb5: {  	s0 =	stileid.u32;
	[bflag:$0x2] =	sbarrier.arrive $0xFFFF  }
0xb6: {  	p0 =	sne.s32 s0, $0x0;
	s0 =	rddreg [dreg:$0x2]  }
0xb7: {  	s0 =	sadd.s32 @!p0 $0x100000, s0  }
0xb8: {  	[sflag:s0] =	ssyncadd.tile.s32 @!p0 $0x1;
	_ =	shalt  }
.Lfunc_end2:
_tile_overlayer_lowered:
.L_overlay_start_2:
0xb9: {  	(tag) =	ssettag $0x2  }
0xba: {  	s0 =	rddreg [dreg:$0x0];
	s2 =	stileid.u32  }
0xbb: {  	s1 =	rddreg [dreg:$0x1];
	p0 =	sne.s32 s2, $0x0  }
0xbc: {  	s3 =	rddreg [dreg:$0x2];
	[bflag:$0x3] =	sbarrier.arrive $0xFFFF;
	s2 =	simm.s32 @!p0 $0x1C03  }
0xbd: {  	[timem:s3], [sflag:s2] =	dma.local @!p0 [hbm:s0], s1  }
0xbe: {  	s0 =	simm.s32 @!p0 $0x3  }
0xbf: {  	_ =	swait.ge @!p0 [sflag:s0], s1  }
0xc0: {  	s1 =	ssub.s32 @!p0 $0x0, s1;
	[sflag:s0] =	ssyncset.done @!p0 $0x0  }
0xc1: {  	[sflag:s0] =	ssyncadd.s32 @!p0 s1  }
0xc2: {  	[bflag:$0x3] =	sbarrier.arrive $0xFFFF  }
0xc3: {  	_ =	shalt  }

// kernel: kernel.7.cloned.1.call-start
scs
__scs_entry_jumppad:
0x0: {  	(pc) =	sbr.rel $0x88, $3  }
0x1: {  	(tag) =	ssettag $0x0;
	lr =	simm.s32 $0x1  }
0x2: {  	[smem:$0x3F99] =	sst lr;
	_ =	strace $0xD0000000  }
0x3: {  	_ = 	snop  }
0x4: {  	_ = 	snop  }
0x5: {  	_ = 	snop  }
0x6: {  	_ = 	snop  }
0x7: {  	_ = 	snop  }
__scs_overlays_trampoline_lowered:
0x8: {  	[smem:$0x3FA8] =	sst s0  }
0x9: {  	[smem:$0x3FA9] =	sst s1  }
0xa: {  	[smem:$0x3FAA] =	sst s2  }
0xb: {  	[smem:$0x3FAB] =	sst s3  }
0xc: {  	[smem:$0x3FAC] =	sst s4  }
0xd: {  	[smem:$0x3FAD] =	sst s5  }
0xe: {  	[smem:$0x3FAE] =	sst s6  }
0xf: {  	[smem:$0x3FAF] =	sst s7  }
0x10: {  	[smem:$0x3FB0] =	sst s8  }
0x11: {  	[smem:$0x3FB1] =	sst s9;
	s0 =	simm.s32 @!p0 $0x0  }
0x12: {  	s1 =	sld [smem:$0x3F97];
	s0 =	simm.s32 @p0 $0x1  }
0x13: {  	[smem:$0x3FB2] =	sst s0;
	s0 =	simm.s32 @!p1 $0x0  }
0x14: {  	s2 =	sld [smem:$0x3F96];
	s0 =	simm.s32 @p1 $0x1  }
0x15: {  	[smem:$0x3FB3] =	sst s0;
	s0 =	simm.s32 @!p2 $0x0  }
0x16: {  	s3 =	sld [smem:$0x3FDB];
	s0 =	simm.s32 @p2 $0x1  }
0x17: {  	s4 =	simm.s32 $0x1BF5;
	[smem:$0x3FB5] =	sst s0  }
0x18: {  	s0 =	sld [smem:$0x3F98];
	_ =	swait.ge [sflag:s4], $0x0  }
0x19: {  	s7 =	sld [smem:$0x3F99]  }
0x1a: {  	s8 =	sadd.s32 $0xFFFFE003, lr  }
0x1b: {  	s9 =	sadd.s32 $0xFFFFFEF7, lr;
	s5 =	simm.s32 $0xFFFFFFFF;
	p2 =	slt.u32 s8, $0xFFFFF086  }
0x1c: {  	p1 =	slt.u32 s9, $0xF7A;
	s5 =	simm.s32 @!p2 $0x0  }
0x1d: {  	s5 =	simm.s32 @p1 $0x1;
	p0 =	seq.s32 s7, s2  }
0x1e: {  	s7 =	smul.u32 @!p0 $0xF7A, s2;
	p2 =	seq.s32 @!p0 s5, $0x0  }
0x1f: {  	s9 =	smul.u32 $0xF7A, s1;
	s8 =	simm.s32 @!p0 $0x1BF5;
	p2 =	por !p2, p0  }
0x20: {  	[sflag:s8] =	ssyncset.s32 @!p0 $0xFFFFF086;
	s6 =	sadd.s32 @!p0 s3, s7;
	s7 =	simm.s32 @!p0 $0x108  }
0x21: {  	s3 =	sadd.s32 s3, s9;
	s6 =	sadd.s32 @!p0 $0x88, s6;
	s7 =	simm.s32 @p2 $0x1082  }
0x22: {  	[simem:s7], [sflag:s8] =	dma.local @!p0 [hbm:s6], $0xF7A  }
0x23: {  	s9 =	sor.u32 $0xD0000000, s2;
	s6 =	simm.s32 $0x108;
	_ =	swait.ge @!p0 [sflag:s8], $0x0  }
0x24: {  	s3 =	sadd.s32 $0x88, s3;
	s6 =	simm.s32 @!p1 $0x1082;
	[sflag:s4] =	ssyncset.s32 $0xFFFFF086  }
0x25: {  	[simem:s6], [sflag:s4] =	dma.local [hbm:s3], $0xF7A  }
0x26: {  	[smem:$0x3F99] =	sst s1;
	(tag) =	ssettag s2;
	_ =	strace s9  }
0x27: {  	s1 =	sld [smem:$0x3FA9]  }
0x28: {  	s2 =	sld [smem:$0x3FAA]  }
0x29: {  	s4 =	sld [smem:$0x3FAC]  }
0x2a: {  	p0 =	seq.s32 s5, $0x0;
	s5 =	sld [smem:$0x3FAD]  }
0x2b: {  	s6 =	sld [smem:$0x3FAE]  }
0x2c: {  	s7 =	sld [smem:$0x3FAF]  }
0x2d: {  	s3 =	simm.s32 $0x108;
	s8 =	sld [smem:$0x3FB0]  }
0x2e: {  	s3 =	simm.s32 @!p0 $0x1082;
	s9 =	sld [smem:$0x3FB1]  }
0x2f: {  	lr =	sadd.s32 s0, s3;
	s0 =	sld [smem:$0x3FA8]  }
0x30: {  	s3 =	sld [smem:$0x3FAB]  }
0x31: {  	[smem:$0x3FB4] =	sst s10  }
0x32: {  	s10 =	sld [smem:$0x3FB2];
	_ =	sdelay $0x3  }
0x33: {  	p0 =	seq.s32 s10, $0x1;
	s10 =	sld [smem:$0x3FB4];
	_ =	sdelay $0x3  }
0x34: {  	[smem:$0x3FB4] =	sst s10  }
0x35: {  	s10 =	sld [smem:$0x3FB3];
	_ =	sdelay $0x3  }
0x36: {  	p1 =	seq.s32 s10, $0x1;
	s10 =	sld [smem:$0x3FB4];
	_ =	sdelay $0x3  }
0x37: {  	[smem:$0x3FB4] =	sst s10  }
0x38: {  	s10 =	sld [smem:$0x3FB5]  }
0x39: {  	_ = 	snop;
	(pc) =	sbr.ind lr, $3  }
0x3a: {  	_ = 	snop  }
0x3b: {  	_ = 	snop  }
0x3c: {  	p2 =	seq.s32 s10, $0x1;
	s10 =	sld [smem:$0x3FB4]  }
0x3d: {  	_ =	shalt  }
0x3e: {  	_ =	shalt  }
0x3f: {  	_ =	shalt  }
0x40: {  	_ =	shalt  }
0x41: {  	_ =	shalt  }
0x42: {  	_ =	shalt  }
0x43: {  	_ =	shalt  }
0x44: {  	_ =	shalt  }
0x45: {  	_ =	shalt  }
0x46: {  	_ =	shalt  }
0x47: {  	_ =	shalt  }
0x48: {  	_ =	shalt  }
0x49: {  	_ =	shalt  }
0x4a: {  	_ =	shalt  }
0x4b: {  	_ =	shalt  }
0x4c: {  	_ =	shalt  }
0x4d: {  	_ =	shalt  }
0x4e: {  	_ =	shalt  }
0x4f: {  	_ =	shalt  }
0x50: {  	_ =	shalt  }
0x51: {  	_ =	shalt  }
0x52: {  	_ =	shalt  }
0x53: {  	_ =	shalt  }
0x54: {  	_ =	shalt  }
0x55: {  	_ =	shalt  }
0x56: {  	_ =	shalt  }
0x57: {  	_ =	shalt  }
0x58: {  	_ =	shalt  }
0x59: {  	_ =	shalt  }
0x5a: {  	_ =	shalt  }
0x5b: {  	_ =	shalt  }
0x5c: {  	_ =	shalt  }
0x5d: {  	_ =	shalt  }
0x5e: {  	_ =	shalt  }
0x5f: {  	_ =	shalt  }
0x60: {  	_ =	shalt  }
0x61: {  	_ =	shalt  }
0x62: {  	_ =	shalt  }
0x63: {  	_ =	shalt  }
0x64: {  	_ =	shalt  }
0x65: {  	_ =	shalt  }
0x66: {  	_ =	shalt  }
0x67: {  	_ =	shalt  }
0x68: {  	_ =	shalt  }
0x69: {  	_ =	shalt  }
0x6a: {  	_ =	shalt  }
0x6b: {  	_ =	shalt  }
0x6c: {  	_ =	shalt  }
0x6d: {  	_ =	shalt  }
0x6e: {  	_ =	shalt  }
0x6f: {  	_ =	shalt  }
0x70: {  	_ =	shalt  }
0x71: {  	_ =	shalt  }
0x72: {  	_ =	shalt  }
0x73: {  	_ =	shalt  }
0x74: {  	_ =	shalt  }
0x75: {  	_ =	shalt  }
0x76: {  	_ =	shalt  }
0x77: {  	_ =	shalt  }
0x78: {  	_ =	shalt  }
0x79: {  	_ =	shalt  }
0x7a: {  	_ =	shalt  }
0x7b: {  	_ =	shalt  }
0x7c: {  	_ =	shalt  }
0x7d: {  	_ =	shalt  }
0x7e: {  	_ =	shalt  }
0x7f: {  	_ =	shalt  }
0x80: {  	_ =	shalt  }
0x81: {  	_ =	shalt  }
0x82: {  	_ =	shalt  }
0x83: {  	_ =	shalt  }
0x84: {  	_ =	shalt  }
0x85: {  	_ =	shalt  }
0x86: {  	_ =	shalt  }
0x87: {  	_ =	shalt  }
.Lfunc_end0:
.L_simem_size_0:
called_computation_lowered:
.L_overlay_start_0:
0x88: {  	s2 =	sld [smem:$0x3FD9]  }
0x89: {  	s3 =	sld [smem:$0x3FFE];
	_ =	sdelay $0x1  }
0x8a: {  	s1 =	srdreg.scid  }
0x8b: {  	s0 =	sand.u32 $0x1, s1  }
0x8c: {  	s17 =	sshll.u32 s0, $0xA;
	s2 =	sadd.s32 s3, s2  }
0x8d: {  	s2 =	sadd.s32 s2, s17  }
0x8e: {  	[smem:$0x3FC0] =	sst s2  }
0x8f: {  	_ = 	snop  }
0x90: {  	s2 =	sld [smem:$0x3FD0];
	(tm) =	ssettm $0x1  }
0x91: {  	s18 =	sld [smem:$0x3FFB];
	_ =	sdelay $0x3  }
0x92: {  	_ =	strace s18  }
0x93: {  	s3 =	sld [smem:$0x3FFC];
	_ =	sdelay $0x3  }
0x94: {  	_ =	strace s3  }
0x95: {  	s3 =	sld [smem:$0x3FFD];
	_ =	sdelay $0x3  }
0x96: {  	_ =	strace s3  }
0x97: {  	_ =	strace $0x8FFFFFFF  }
0x98: {  	s19 =	sld [smem:$0x3FDB];
	_ =	sdelay $0x1  }
0x99: {  	s4 =	simm.s32 $_scs_section_size  }
0x9a: {  	s5 =	simm.s32 $_size__tile_overlayer_lowered;
	s6 =	simm.s32 $_tile_overlayer_lowered  }
0x9b: {  	s22 =	simm.s32 $0x1BFF;
	s21 =	sshll.u32 s6, $0x1;
	s3 =	sadd.s32 s4, s19  }
0x9c: {  	s7 =	simm.s32 $0x0;
	s20 =	sshll.u32 s5, $0x1;
	s5 =	sadd.s32 s21, s3  }
0x9d: {  	[timem:s7], [sflag:s22] =	dma.local [hbm:s5], s20  }
0x9e: {  	_ =	swait.ge [sflag:s22], s20  }
0x9f: {  	s4 =	ssub.s32 $0x0, s20;
	[sflag:s22] =	ssyncset.done $0x0  }
0xa0: {  	[sflag:s22] =	ssyncadd.s32 s4;
	_ =	sdelay $0x1  }
0xa1: {  	s23 =	simm.s32 $0x1B8B  }
0xa2: {  	_ =	swait.ge [sflag:s23], $0x1  }
0xa3: {  	[sflag:s23] =	ssyncset.done $0x0  }
0xa4: {  	s25 =	simm.s32 $0x1B8E;
	s24 =	sld [smem:$0x3FFE];
	[sflag:s23] =	ssyncadd.s32 $0xFFFFFFFF  }
0xa5: {  	s26 =	simm.s32 $execute0_lowered;
	[smem:$0x3FD2] =	sst s25  }
0xa6: {  	s5 =	sshll.u32 s26, $0x1;
	_ =	strace $0x80000046;
	[dreg:$0x1] =	wrdreg $0xFFFFFFFF  }
0xa7: {  	s28 =	simm.s32 $_size_execute0_lowered;
	s3 =	sadd.s32 s3, s5;
	[dreg:$0x0] =	wrdreg $0x0  }
0xa8: {  	s5 =	sshll.u32 s28, $0x1;
	[dreg:$0x2] =	wrdreg s3  }
0xa9: {  	[dreg:$0x3] =	wrdreg s5  }
0xaa: {  	[dreg:$0x4] =	wrdreg $0xC0  }
0xab: {  	_ =	task [dreg:s7], $0x5FFFF  }
0xac: {  	[dreg:$0x1] =	wrdreg $0xFFFFFFFF  }
0xad: {  	[dreg:$0x0] =	wrdreg $0x60  }
0xae: {  	[dreg:$0x2] =	wrdreg s2  }
0xaf: {  	[dreg:$0x3] =	wrdreg s24  }
0xb0: {  	[dreg:$0x4] =	wrdreg $0x9  }
0xb1: {  	_ =	task.clear_ibuf [dreg:s7], $0x5FFFF;
	_ =	strace $0x90000046  }
0xb2: {  	s29 =	simm.s32 $0x9;
	_ =	strace $0x80000048  }
0xb3: {  	_ =	swait.ge [sflag:s29], $0x1  }
0xb4: {  	[sflag:s29] =	ssyncadd.s32 $0xFFFFFFFF  }
0xb5: {  	_ =	strace $0x90000048  }
0xb6: {  	_ =	sfence  }
0xb7: {  	s30 =	sld [smem:$0x0];
	_ =	sdelay $0x2  }
0xb8: {  	s31 =	sshll.u32 s1, $0xD;
	s1 =	sshrl.u32 s1, $0x2  }
0xb9: {  	s3 =	sand.u32 $0x4000, s31;
	s1 =	sadd.s32 s1, s30  }
0xba: {  	s0 =	sor.u32 s3, s0;
	s1 =	sshll.u32 s1, $0x11  }
0xbb: {  	s0 =	sor.u32 s1, s0  }
0xbc: {  	s0 =	sadd.s32 $0x8F2B, s0  }
0xbd: {  	[sflag:s0] =	ssyncadd.remote.s32 $0x1  }
0xbe: {  	_ =	sfence.sel $0xFFFF  }
0xbf: {  	[dreg:$0x0] =	wrdreg $0xFFFFFFFF;
	(pc) =	sbr.abs _section_cstart, $3  }
0xc0: {  	[dreg:$0x1] =	wrdreg $0xFFFFFFFF  }
0xc1: {  	_ =	task.clear_ibuf [dreg:s7], $0x2FFFF;
	_ =	strace $0x9FFFFFFF  }
0xc2: {  	(tm) =	ssettm $0x7FFFFFFF  }
0xc3: {  	_ =	shalt  }
tec
execute0_lowered:
.L_overlay_start_1:
0x0: {  	(tag) =	ssettag $0x1  }
0x1: {  	s1 =	srdreg.scid;
	s3 =	rddreg [dreg:$0x0]  }
0x2: {  	s0 =	stileid.u32;
	s5 =	rddreg [dreg:$0x1]  }
0x3: {  	s16 =	simm.s32 $0x80;
	s17 =	simm.s32 $0x900;
	s18 =	simm.s32 $0xD00  }
0x4: {  	s20 =	simm.s32 $0x1500;
	s21 =	simm.s32 $0x1900;
	s22 =	simm.s32 $0x2100  }
0x5: {  	s23 =	simm.s32 $0x2500;
	s24 =	simm.s32 $0x2D00;
	s1 =	sand.u32 $0x1, s1  }
0x6: {  	s25 =	simm.s32 $0x3100;
	s2 =	sshll.u32 s0, $0x5;
	s4 =	sshll.u32 s1, $0x4  }
0x7: {  	s26 =	simm.s32 $0x3900;
	s4 =	sor.u32 s4, s2;
	s2 =	simm.s32 $0x0  }
0x8: {  	s9 =	simm.s32 $0x1;
	s11 =	simm.s32 $0x4500;
	[smem:$0x7FF] =	sst s2  }
0x9: {  	s12 =	simm.s32 $0x4900;
	_ =	strace $0x80000047;
	[dreg:$0x7] =	wrdreg s16  }
0xa: {  	s13 =	simm.s32 $0x5100;
	s14 =	simm.s32 $0x5500;
	[dreg:$0x8] =	wrdreg s17  }
0xb: {  	s28 =	simm.s32 $0xA900;
	s29 =	simm.s32 $0xB100;
	[dreg:$0x9] =	wrdreg s18  }
0xc: {  	s30 =	simm.s32 $0xB500;
	s1 =	ssub.s32 $0x2, s1;
	[dreg:$0xa] =	wrdreg s20  }
0xd: {  	s31 =	simm.s32 $0xBD00;
	s19 =	sshrl.u32 s1, $0x1;
	[dreg:$0xb] =	wrdreg s21  }
0xe: {  	s6 =	sand.u32 $0xF0, s4;
	s4 =	sadd.s32 s4, s5;
	[dreg:$0xc] =	wrdreg s22  }
0xf: {  	s1 =	ssub.s32 s1, s19;
	s19 =	simm.s32 $0x7900;
	[dreg:$0xd] =	wrdreg s23  }
0x10: {  	s7 =	smul.u32 $0xC00, s6;
	s8 =	sadd.s32 $0x1A00, s4;
	[dreg:$0xe] =	wrdreg s24  }
0x11: {  	s6 =	smul.u32 $0x180, s6;
	s4 =	sadd.s32 $0x1A08, s4;
	[dreg:$0xf] =	wrdreg s25  }
0x12: {  	[dreg:$0x10] =	wrdreg s26;
	s16 =	simm.s32 $0x6900;
	s17 =	simm.s32 $0x6D00  }
0x13: {  	s18 =	simm.s32 $0x7500;
	s20 =	simm.s32 $0x8100;
	s21 =	simm.s32 $0x8500  }
0x14: {  	s22 =	simm.s32 $0x8D00;
	s23 =	simm.s32 $0x9100;
	s24 =	simm.s32 $0x9900  }
0x15: {  	s25 =	simm.s32 $0x9D00;
	s26 =	simm.s32 $0xA500;
	[dreg:$0x3] =	wrdreg s8  }
0x16: {  	[dreg:$0x4] =	wrdreg s4;
	s4 =	sadd.s32 $0x1D00, s5;
	s7 =	sshrl.u32 s7, $0x3  }
0x17: {  	s8 =	simm.s32 $0x6100;
	s15 =	sadd.s32 s3, s6;
	s3 =	sadd.s32 s3, s7  }
0x18: {  	v2 =	vlaneseq.u32;
	s6 =	simm.s32 $0x3;
	[dreg:$0x5] =	wrdreg s15;
	s3 =	sadd.s32 $0xC00, s3  }
0x19: {  	vm0 =	vmmov $0xffff;
	vm1 =	vmmov $0xff;
	v1 =	vshrl.u32 v2, $0x3;
	s7 =	simm.s32 $0x100;
	s15 =	simm.s32 $0x5D00;
	[dreg:$0x6] =	wrdreg s3  }
0x1a: {  	v0 =	vand.u32 $0x7, v2;
	v2 =	vor.u32 $0x8, v2;
	v1 =	vmul.u32 $0x8, v1;
	s3 =	sadd.s32 $0x1C00, s5;
	s5 =	smax.u32 s1, $0x1;
	s1 =	simm.s32 $0x2  }
.LBB2_1:
0x1b: {  	s0 =	rddreg [dreg:$0x3]  }
0x1c: {  	[tilespmem:s2], [sflag:$0x3] =	stream.linear.gather [hbm4b:s0+s2], $0x40, $0x38;
	[tilespmem:$0xC100] =	vst v63  }
0x1d: {  	_ =	swait.ge [sflag:s6], $0x40  }
0x1e: {  	s0 =	rddreg [dreg:$0x4];
	[sflag:s6] =	ssyncset.done $0x0  }
0x1f: {  	s10 =	rddreg [dreg:$0x7];
	[sflag:s6] =	ssyncadd.s32 $0xFFFFFFC0  }
0x20: {  	[tilespmem:s10], [sflag:$0x3] =	stream.linear.gather [hbm4b:s0+s2], $0x40, $0x38;
	[tilespmem:$0xC100] =	vst v63  }
0x21: {  	_ =	swait.ge [sflag:s6], $0x40  }
0x22: {  	[sflag:s6] =	ssyncset.done $0x0  }
0x23: {  	s0 =	rddreg [dreg:$0x5];
	[sflag:s6] =	ssyncadd.s32 $0xFFFFFFC0  }
0x24: {  	[tilespmem:s7], [sflag:$0x1] =	stream.linear.gather [hbm4b:s0+s2], $0x6000, $0x38;
	[tilespmem:$0xC100] =	vst v63  }
0x25: {  	s10 =	rddreg [dreg:$0x6]  }
0x26: {  	[tilespmem:s8], [sflag:$0x1] =	stream.linear.gather [hbm4b:s10+s2], $0x6000, $0x38;
	[tilespmem:$0xC100] =	vst v63  }
0x27: {  	_ =	swait.ge [sflag:s9], $0x6000  }
0x28: {  	[sflag:s9] =	ssyncset.done $0x0  }
0x29: {  	[sflag:s9] =	ssyncadd.s32 $0xFFFFA000  }
0x2a: {  	v3 =	vld [tilespmem:$0x0];
	_ =	sdelay $0x4  }
0x2b: {  	v4 =	vshrl.u32 v3, $0x3  }
0x2c: {  	v4 =	vmul.u32 $0x18, v4  }
0x2d: {  	v3 =	vand.u32 $0x7, v3  }
0x2e: {  	v3 =	vor.u32 v3, v4  }
0x2f: {  	v4 =	vperm.xlane v3, v0;
	_ =	sdelay $0x1  }
0x30: {  	v4 =	vadd.s32 v1, v4;
	_ =	sdelay $0x1  }
0x31: {  	v3 =	vperm.xlane v3, v2;
	_ =	sdelay $0x1  }
0x32: {  	v3 =	vadd.s32 v1, v3  }
0x33: {  	[hbm4b:s3+s2] =	stream.indirect_vreg.scatter [tilespmem:s7], [sflag:$0x2], $0x80, v4, vm0, $0xb8;
	[tilespmem:$0xC100] =	vst v63  }
0x34: {  	s0 =	rddreg [dreg:$0x8]  }
0x35: {  	[hbm4b:s4+s2] =	stream.indirect_vreg.scatter [tilespmem:s0], [sflag:$0x2], $0x80, v4, vm1, $0xb8;
	[tilespmem:$0xC100] =	vst v63  }
0x36: {  	s10 =	rddreg [dreg:$0x9]  }
0x37: {  	[hbm4b:s3+s2] =	stream.indirect_vreg.scatter [tilespmem:s10], [sflag:$0x2], $0x80, v3, vm0, $0xb8;
	[tilespmem:$0xC100] =	vst v63  }
0x38: {  	s0 =	rddreg [dreg:$0xa]  }
0x39: {  	[hbm4b:s4+s2] =	stream.indirect_vreg.scatter [tilespmem:s0], [sflag:$0x2], $0x80, v3, vm1, $0xb8;
	[tilespmem:$0xC100] =	vst v63  }
0x3a: {  	v3 =	vld [tilespmem:$0x10];
	_ =	sdelay $0x4  }
0x3b: {  	v57 =	vshrl.u32 v3, $0x3  }
0x3c: {  	v4 =	vmul.u32 $0x18, v57  }
0x3d: {  	v3 =	vand.u32 $0x7, v3  }
0x3e: {  	v3 =	vor.u32 v3, v4  }
0x3f: {  	v4 =	vperm.xlane v3, v0;
	_ =	sdelay $0x1  }
0x40: {  	v4 =	vadd.s32 v1, v4;
	_ =	sdelay $0x1  }
0x41: {  	v3 =	vperm.xlane v3, v2;
	_ =	sdelay $0x1  }
0x42: {  	s0 =	rddreg [dreg:$0xb];
	v3 =	vadd.s32 v1, v3  }
0x43: {  	[hbm4b:s3+s2] =	stream.indirect_vreg.scatter [tilespmem:s0], [sflag:$0x2], $0x80, v4, vm0, $0xb8;
	[tilespmem:$0xC100] =	vst v63  }
0x44: {  	s10 =	rddreg [dreg:$0xc]  }
0x45: {  	[hbm4b:s4+s2] =	stream.indirect_vreg.scatter [tilespmem:s10], [sflag:$0x2], $0x80, v4, vm1, $0xb8;
	[tilespmem:$0xC100] =	vst v63  }
0x46: {  	s0 =	rddreg [dreg:$0xd]  }
0x47: {  	[hbm4b:s3+s2] =	stream.indirect_vreg.scatter [tilespmem:s0], [sflag:$0x2], $0x80, v3, vm0, $0xb8;
	[tilespmem:$0xC100] =	vst v63  }
0x48: {  	s10 =	rddreg [dreg:$0xe]  }
0x49: {  	[hbm4b:s4+s2] =	stream.indirect_vreg.scatter [tilespmem:s10], [sflag:$0x2], $0x80, v3, vm1, $0xb8;
	[tilespmem:$0xC100] =	vst v63  }
0x4a: {  	v3 =	vld [tilespmem:$0x20];
	_ =	sdelay $0x4  }
0x4b: {  	v58 =	vshrl.u32 v3, $0x3  }
0x4c: {  	v4 =	vmul.u32 $0x18, v58  }
0x4d: {  	v3 =	vand.u32 $0x7, v3  }
0x4e: {  	v3 =	vor.u32 v3, v4  }
0x4f: {  	v4 =	vperm.xlane v3, v0;
	_ =	sdelay $0x1  }
0x50: {  	v4 =	vadd.s32 v1, v4;
	_ =	sdelay $0x1  }
0x51: {  	v3 =	vperm.xlane v3, v2;
	_ =	sdelay $0x1  }
0x52: {  	s0 =	rddreg [dreg:$0xf];
	v3 =	vadd.s32 v1, v3  }
0x53: {  	[hbm4b:s3+s2] =	stream.indirect_vreg.scatter [tilespmem:s0], [sflag:$0x2], $0x80, v4, vm0, $0xb8;
	[tilespmem:$0xC100] =	vst v63  }
0x54: {  	s10 =	rddreg [dreg:$0x10]  }
0x55: {  	[hbm4b:s4+s2] =	stream.indirect_vreg.scatter [tilespmem:s10], [sflag:$0x2], $0x80, v4, vm1, $0xb8;
	[tilespmem:$0xC100] =	vst v63  }
0x56: {  	s10 =	simm.s32 $0x3D00  }
0x57: {  	[hbm4b:s3+s2] =	stream.indirect_vreg.scatter [tilespmem:s10], [sflag:$0x2], $0x80, v3, vm0, $0xb8;
	[tilespmem:$0xC100] =	vst v63  }
0x58: {  	_ = 	snop  }
0x59: {  	[hbm4b:s4+s2] =	stream.indirect_vreg.scatter [tilespmem:s11], [sflag:$0x2], $0x80, v3, vm1, $0xb8;
	[tilespmem:$0xC100] =	vst v63  }
0x5a: {  	v3 =	vld [tilespmem:$0x30];
	_ =	sdelay $0x4  }
0x5b: {  	v59 =	vshrl.u32 v3, $0x3  }
0x5c: {  	v4 =	vmul.u32 $0x18, v59  }
0x5d: {  	v3 =	vand.u32 $0x7, v3  }
0x5e: {  	v3 =	vor.u32 v3, v4  }
0x5f: {  	v4 =	vperm.xlane v3, v0;
	_ =	sdelay $0x1  }
0x60: {  	v4 =	vadd.s32 v1, v4;
	_ =	sdelay $0x1  }
0x61: {  	v3 =	vperm.xlane v3, v2;
	_ =	sdelay $0x1  }
0x62: {  	v3 =	vadd.s32 v1, v3  }
0x63: {  	[hbm4b:s3+s2] =	stream.indirect_vreg.scatter [tilespmem:s12], [sflag:$0x2], $0x80, v4, vm0, $0xb8;
	[tilespmem:$0xC100] =	vst v63  }
0x64: {  	_ = 	snop  }
0x65: {  	[hbm4b:s4+s2] =	stream.indirect_vreg.scatter [tilespmem:s13], [sflag:$0x2], $0x80, v4, vm1, $0xb8;
	[tilespmem:$0xC100] =	vst v63  }
0x66: {  	_ = 	snop  }
0x67: {  	[hbm4b:s3+s2] =	stream.indirect_vreg.scatter [tilespmem:s14], [sflag:$0x2], $0x80, v3, vm0, $0xb8;
	[tilespmem:$0xC100] =	vst v63  }
0x68: {  	_ = 	snop  }
0x69: {  	[hbm4b:s4+s2] =	stream.indirect_vreg.scatter [tilespmem:s15], [sflag:$0x2], $0x80, v3, vm1, $0xb8;
	[tilespmem:$0xC100] =	vst v63  }
0x6a: {  	_ =	swait.ge [sflag:s9], $0x6000  }
0x6b: {  	[sflag:s9] =	ssyncset.done $0x0  }
0x6c: {  	[sflag:s9] =	ssyncadd.s32 $0xFFFFA000  }
0x6d: {  	v3 =	vld [tilespmem:$0x80];
	_ =	sdelay $0x4  }
0x6e: {  	v60 =	vshrl.u32 v3, $0x3  }
0x6f: {  	v4 =	vmul.u32 $0x18, v60  }
0x70: {  	v3 =	vand.u32 $0x7, v3  }
0x71: {  	v3 =	vor.u32 v3, v4  }
0x72: {  	v4 =	vperm.xlane v3, v0;
	_ =	sdelay $0x1  }
0x73: {  	v4 =	vadd.s32 v1, v4;
	_ =	sdelay $0x1  }
0x74: {  	v3 =	vperm.xlane v3, v2;
	_ =	sdelay $0x1  }
0x75: {  	v3 =	vadd.s32 v1, v3  }
0x76: {  	[hbm4b:s3+s2] =	stream.indirect_vreg.scatter [tilespmem:s8], [sflag:$0x2], $0x80, v4, vm0, $0xb8;
	[tilespmem:$0xC100] =	vst v63  }
0x77: {  	_ = 	snop  }
0x78: {  	[hbm4b:s4+s2] =	stream.indirect_vreg.scatter [tilespmem:s16], [sflag:$0x2], $0x80, v4, vm1, $0xb8;
	[tilespmem:$0xC100] =	vst v63  }
0x79: {  	_ = 	snop  }
0x7a: {  	[hbm4b:s3+s2] =	stream.indirect_vreg.scatter [tilespmem:s17], [sflag:$0x2], $0x80, v3, vm0, $0xb8;
	[tilespmem:$0xC100] =	vst v63  }
0x7b: {  	_ = 	snop  }
0x7c: {  	[hbm4b:s4+s2] =	stream.indirect_vreg.scatter [tilespmem:s18], [sflag:$0x2], $0x80, v3, vm1, $0xb8;
	[tilespmem:$0xC100] =	vst v63  }
0x7d: {  	v3 =	vld [tilespmem:$0x90];
	_ =	sdelay $0x4  }
0x7e: {  	v61 =	vshrl.u32 v3, $0x3  }
0x7f: {  	v4 =	vmul.u32 $0x18, v61  }
0x80: {  	v3 =	vand.u32 $0x7, v3  }
0x81: {  	v3 =	vor.u32 v3, v4  }
0x82: {  	v4 =	vperm.xlane v3, v0;
	_ =	sdelay $0x1  }
0x83: {  	v4 =	vadd.s32 v1, v4;
	_ =	sdelay $0x1  }
0x84: {  	v3 =	vperm.xlane v3, v2;
	_ =	sdelay $0x1  }
0x85: {  	v3 =	vadd.s32 v1, v3  }
0x86: {  	[hbm4b:s3+s2] =	stream.indirect_vreg.scatter [tilespmem:s19], [sflag:$0x2], $0x80, v4, vm0, $0xb8;
	[tilespmem:$0xC100] =	vst v63  }
0x87: {  	_ = 	snop  }
0x88: {  	[hbm4b:s4+s2] =	stream.indirect_vreg.scatter [tilespmem:s20], [sflag:$0x2], $0x80, v4, vm1, $0xb8;
	[tilespmem:$0xC100] =	vst v63  }
0x89: {  	_ = 	snop  }
0x8a: {  	[hbm4b:s3+s2] =	stream.indirect_vreg.scatter [tilespmem:s21], [sflag:$0x2], $0x80, v3, vm0, $0xb8;
	[tilespmem:$0xC100] =	vst v63  }
0x8b: {  	_ = 	snop  }
0x8c: {  	[hbm4b:s4+s2] =	stream.indirect_vreg.scatter [tilespmem:s22], [sflag:$0x2], $0x80, v3, vm1, $0xb8;
	[tilespmem:$0xC100] =	vst v63  }
0x8d: {  	v3 =	vld [tilespmem:$0xA0];
	_ =	sdelay $0x4  }
0x8e: {  	v62 =	vshrl.u32 v3, $0x3  }
0x8f: {  	v4 =	vmul.u32 $0x18, v62  }
0x90: {  	v3 =	vand.u32 $0x7, v3  }
0x91: {  	v3 =	vor.u32 v3, v4  }
0x92: {  	v4 =	vperm.xlane v3, v0;
	_ =	sdelay $0x1  }
0x93: {  	v4 =	vadd.s32 v1, v4;
	_ =	sdelay $0x1  }
0x94: {  	v3 =	vperm.xlane v3, v2;
	_ =	sdelay $0x1  }
0x95: {  	v3 =	vadd.s32 v1, v3  }
0x96: {  	[hbm4b:s3+s2] =	stream.indirect_vreg.scatter [tilespmem:s23], [sflag:$0x2], $0x80, v4, vm0, $0xb8;
	[tilespmem:$0xC100] =	vst v63  }
0x97: {  	_ = 	snop  }
0x98: {  	[hbm4b:s4+s2] =	stream.indirect_vreg.scatter [tilespmem:s24], [sflag:$0x2], $0x80, v4, vm1, $0xb8;
	[tilespmem:$0xC100] =	vst v63  }
0x99: {  	_ = 	snop  }
0x9a: {  	[hbm4b:s3+s2] =	stream.indirect_vreg.scatter [tilespmem:s25], [sflag:$0x2], $0x80, v3, vm0, $0xb8;
	[tilespmem:$0xC100] =	vst v63  }
0x9b: {  	_ = 	snop  }
0x9c: {  	[hbm4b:s4+s2] =	stream.indirect_vreg.scatter [tilespmem:s26], [sflag:$0x2], $0x80, v3, vm1, $0xb8;
	[tilespmem:$0xC100] =	vst v63  }
0x9d: {  	v3 =	vld [tilespmem:$0xB0];
	_ =	sdelay $0x4  }
0x9e: {  	v63 =	vshrl.u32 v3, $0x3  }
0x9f: {  	v4 =	vmul.u32 $0x18, v63  }
0xa0: {  	v3 =	vand.u32 $0x7, v3  }
0xa1: {  	v3 =	vor.u32 v3, v4  }
0xa2: {  	v4 =	vperm.xlane v3, v0;
	_ =	sdelay $0x1  }
0xa3: {  	v4 =	vadd.s32 v1, v4;
	_ =	sdelay $0x1  }
0xa4: {  	v3 =	vperm.xlane v3, v2;
	_ =	sdelay $0x1  }
0xa5: {  	v3 =	vadd.s32 v1, v3  }
0xa6: {  	[hbm4b:s3+s2] =	stream.indirect_vreg.scatter [tilespmem:s28], [sflag:$0x2], $0x80, v4, vm0, $0xb8;
	[tilespmem:$0xC100] =	vst v63  }
0xa7: {  	_ = 	snop  }
0xa8: {  	[hbm4b:s4+s2] =	stream.indirect_vreg.scatter [tilespmem:s29], [sflag:$0x2], $0x80, v4, vm1, $0xb8;
	[tilespmem:$0xC100] =	vst v63  }
0xa9: {  	_ = 	snop  }
0xaa: {  	[hbm4b:s3+s2] =	stream.indirect_vreg.scatter [tilespmem:s30], [sflag:$0x2], $0x80, v3, vm0, $0xb8;
	[tilespmem:$0xC100] =	vst v63  }
0xab: {  	_ = 	snop  }
0xac: {  	[hbm4b:s4+s2] =	stream.indirect_vreg.scatter [tilespmem:s31], [sflag:$0x2], $0x80, v3, vm1, $0xb8;
	[tilespmem:$0xC100] =	vst v63  }
0xad: {  	p0 =	sne.s32 s5, $0x1;
	_ =	swait.ge [sflag:s1], $0x6000  }
.Ltmp0:
0xae: {  	[sflag:s1] =	ssyncset.done $0x0;
	(pc) =	sbr.rel @p0 .LBB2_1-.Ltmp0, $4  }
0xaf: {  	[sflag:s1] =	ssyncadd.s32 $0xFFFFA000  }
0xb0: {  	_ =	swait.ge [sflag:s1], $0x6000  }
0xb1: {  	[sflag:s1] =	ssyncset.done $0x0  }
0xb2: {  	s5 =	sadd.s32 $0xFFFFFFFF, s5;
	[sflag:s1] =	ssyncadd.s32 $0xFFFFA000  }
0xb3: {  	_ =	sfence.sel $0x180000  }
0xb4: {  	[bflag:$0x0] =	sbarrier.arrive $0xFFFF  }
0xb5: {  	_ =	strace $0x90000047  }
0xb6: {  	s0 =	stileid.u32;
	[bflag:$0x2] =	sbarrier.arrive $0xFFFF  }
0xb7: {  	p0 =	sne.s32 s0, $0x0;
	s0 =	rddreg [dreg:$0x2]  }
0xb8: {  	s0 =	sadd.s32 @!p0 $0x100000, s0  }
0xb9: {  	[sflag:s0] =	ssyncadd.tile.s32 @!p0 $0x1;
	_ =	shalt  }
.Lfunc_end2:
_tile_overlayer_lowered:
.L_overlay_start_2:
0xba: {  	(tag) =	ssettag $0x2  }
0xbb: {  	s0 =	rddreg [dreg:$0x0];
	s2 =	stileid.u32  }
0xbc: {  	s1 =	rddreg [dreg:$0x1];
	p0 =	sne.s32 s2, $0x0  }
0xbd: {  	s3 =	rddreg [dreg:$0x2];
	[bflag:$0x3] =	sbarrier.arrive $0xFFFF;
	s2 =	simm.s32 @!p0 $0x1C03  }
0xbe: {  	[timem:s3], [sflag:s2] =	dma.local @!p0 [hbm:s0], s1  }
0xbf: {  	s0 =	simm.s32 @!p0 $0x3  }
0xc0: {  	_ =	swait.ge @!p0 [sflag:s0], s1  }
0xc1: {  	s1 =	ssub.s32 @!p0 $0x0, s1;
	[sflag:s0] =	ssyncset.done @!p0 $0x0  }
0xc2: {  	[sflag:s0] =	ssyncadd.s32 @!p0 s1  }
0xc3: {  	[bflag:$0x3] =	sbarrier.arrive $0xFFFF  }
0xc4: {  	_ =	shalt  }

</sc_bundles>
